<compile_context>
chip_gen: v7x
topology: tpu7x:2x2x1
jax: 0.10.2.dev20260603
libtpu: 0.0.44.dev20260713+nightly
codegen_flags: <defaults>
</compile_context>

<pallas_src>
import functools
import math

import jax
import jax.numpy as jnp
from jax import lax
from jax.experimental import pallas as pl
from jax.experimental.pallas import tpu as pltpu
from jax.experimental.pallas import tpu_sc as plsc

_CUTOFF = 4.0
_NUM_BASIS = 16

_NC = 2
_NS = 16
_NW = _NC * _NS

_C = 2000

_B = 4096


def _sc_edge_diff(pos_flat, ei_flat, n, e_pad):
    e = ei_flat.shape[0] // 2
    assert e % _NW == 0
    ew = e // _NW
    assert ew % _C == 0

    mesh = plsc.VectorSubcoreMesh(core_axis_name="c", subcore_axis_name="s")
    out_type = (
        jax.ShapeDtypeStruct((e_pad,), jnp.float32),
        jax.ShapeDtypeStruct((e_pad,), jnp.float32),
        jax.ShapeDtypeStruct((e_pad,), jnp.float32),
    )
    scratch = [
        pltpu.VMEM((n,), jnp.float32),
        pltpu.VMEM((_C,), jnp.int32),
        pltpu.VMEM((_C,), jnp.int32),
        pltpu.VMEM((_C,), jnp.float32),
    ]

    @functools.partial(
        pl.kernel, out_type=out_type, mesh=mesh, scratch_types=scratch,
        compiler_params=pltpu.CompilerParams(needs_layout_passes=False))
    def sc_kernel(pos_hbm, ei_hbm, d0_hbm, d1_hbm, d2_hbm,
                  plane, sidx, didx, dbuf):
        wid = lax.axis_index("s") * _NC + lax.axis_index("c")

        for pofs, d_hbm in ((0, d0_hbm), (n, d1_hbm), (2 * n, d2_hbm)):
            pltpu.sync_copy(pos_hbm.at[pl.ds(pofs, n)], plane)

            def chunk(kk, _):
                cb = wid * ew + kk * _C
                pltpu.sync_copy(ei_hbm.at[pl.ds(cb, _C)], sidx)
                pltpu.sync_copy(ei_hbm.at[pl.ds(e + cb, _C)], didx)

                def step(i, _):
                    sl = pl.ds(i * 16, 16)
                    a = plsc.load_gather(plane, [didx[sl]])
                    b = plsc.load_gather(plane, [sidx[sl]])
                    dbuf[sl] = a - b
                    return 0

                lax.fori_loop(0, _C // 16, step, 0)
                pltpu.sync_copy(dbuf, d_hbm.at[pl.ds(cb, _C)])
                return 0

            lax.fori_loop(0, ew // _C, chunk, 0)

    return sc_kernel(pos_flat, ei_flat)


def _tc_node_embed(x, emb2t):
    n = x.shape[0]
    b = 3200
    assert n % b == 0
    nb = n // b
    xr = x.reshape(nb, 1, b)
    s = emb2t.shape[1]

    def body(x_ref, e_ref, hx_ref, hz_ref):
        xv = x_ref[...].reshape(1, b)
        sp = lax.broadcasted_iota(jnp.int32, (s, 1), 0)
        onehot = (xv == sp).astype(jnp.float32)
        t = lax.dot_general(e_ref[...], onehot, (((1,), (0,)), ((), ())),
                            preferred_element_type=jnp.float32)
        hx_ref[...] = t[:8, :]
        hz_ref[...] = t[8:, :]

    return pl.pallas_call(
        body,
        grid=(nb,),
        in_specs=[pl.BlockSpec((1, 1, b), lambda i: (i, 0, 0)),
                  pl.BlockSpec((16, s), lambda i: (0, 0))],
        out_specs=[pl.BlockSpec((8, b), lambda i: (0, i)),
                   pl.BlockSpec((8, b), lambda i: (0, i))],
        out_shape=[jax.ShapeDtypeStruct((8, n), jnp.float32),
                   jax.ShapeDtypeStruct((8, n), jnp.float32)],
    )(xr, emb2t)


_PI_A = 3.140625
_PI_B = 0.0009676535897932795
_S0 = 9.9999999372e-01
_S1 = -1.6666655189e-01
_S2 = 8.3329909945e-03
_S3 = -1.9805000098e-04
_S4 = 2.5966513689e-06
_K0 = 1.0
_K1 = -4.9999999725e-01
_K2 = 4.1666418880e-02
_K3 = -1.3887316255e-03
_K4 = 2.4433157103e-05


def _fast_sincos(x):
    kf = jnp.floor(x * (1.0 / math.pi) + 0.5)
    y = (x - kf * _PI_A) - kf * _PI_B
    y2 = y * y
    ps = y * (_S0 + y2 * (_S1 + y2 * (_S2 + y2 * (_S3 + y2 * _S4))))
    pc = _K0 + y2 * (_K1 + y2 * (_K2 + y2 * (_K3 + y2 * _K4)))
    sbit = jnp.left_shift(jnp.bitwise_and(kf.astype(jnp.int32), 1), 31)
    sb = lax.bitcast_convert_type(ps, jnp.int32) ^ sbit
    cb = lax.bitcast_convert_type(pc, jnp.int32) ^ sbit
    return (lax.bitcast_convert_type(sb, jnp.float32),
            lax.bitcast_convert_type(cb, jnp.float32))


def _tc_bessel(d0, d1, d2):
    e_pad = d0.shape[0]
    assert e_pad % _B == 0
    nb = e_pad // _B
    dr = [d.reshape(nb, 8, 512) for d in (d0, d1, d2)]

    def body(xr, yr, zr, h_ref, a_ref):
        dx = xr[...].reshape(8, 512)
        dy = yr[...].reshape(8, 512)
        dz = zr[...].reshape(8, 512)
        r2 = dx * dx + dy * dy + dz * dz
        inv_r = lax.rsqrt(r2)
        g = math.sqrt(2.0 / _CUTOFF) * inv_r
        theta = r2 * inv_r * (math.pi / _CUTOFF)
        s1, c1 = _fast_sincos(theta)
        c2 = c1 + c1
        h1 = s1 * g
        h2 = c2 * h1
        a_ref[0, 0] = dx
        a_ref[1, 0] = dy
        a_ref[2, 0] = dz
        h_ref[0, 0] = h1
        h_ref[1, 0] = h2
        hm2, hm1 = h1, h2
        for nn in range(2, _NUM_BASIS):
            hn = c2 * hm1 - hm2
            h_ref[nn, 0] = hn
            hm2, hm1 = hm1, hn

    h4, a4 = pl.pallas_call(
        body,
        grid=(nb,),
        in_specs=[pl.BlockSpec((1, 8, 512), lambda i: (i, 0, 0))] * 3,
        out_specs=[pl.BlockSpec((_NUM_BASIS, 1, 8, 512),
                                lambda i: (0, i, 0, 0)),
                   pl.BlockSpec((3, 1, 8, 512), lambda i: (0, i, 0, 0))],
        out_shape=[jax.ShapeDtypeStruct((_NUM_BASIS, nb, 8, 512),
                                        jnp.float32),
                   jax.ShapeDtypeStruct((3, nb, 8, 512), jnp.float32)],
    )(*dr)
    return h4.reshape(_NUM_BASIS, e_pad), a4.reshape(3, e_pad)


def kernel(x, positions, edge_index, embed_node_x, embed_node_z):
    n = positions.shape[0]
    e = edge_index.shape[1]
    pos_flat = positions.T.reshape(-1)
    ei_flat = edge_index.astype(jnp.int32).reshape(-1)
    emb2t = jnp.concatenate([embed_node_x, embed_node_z], axis=1).T
    npad = -n % 3200
    xpad = jnp.pad(x.astype(jnp.int32), (0, npad))
    hx, hz = _tc_node_embed(xpad, emb2t)
    hx = lax.slice(hx, (0, 0), (8, n))
    hz = lax.slice(hz, (0, 0), (8, n))
    e_pad = -(-e // _B) * _B
    d0, d1, d2 = _sc_edge_diff(pos_flat, ei_flat, n, e_pad)
    h16, a3 = _tc_bessel(d0, d1, d2)
    h16 = lax.slice(h16, (0, 0), (_NUM_BASIS, e))
    a3 = lax.slice(a3, (0, 0), (3, e))
    return (hx.T, hz.T, h16.T, a3.T)

# --- scband reference (transcript-rebuilt; emitter-appended) ---
"""Pipeline reference for scband-initial-embedding-87557203296899 (READ-ONLY COPY).

The authoritative reference and input builder live on the scoring server;
editing this copy changes nothing except your own understanding.
"""

import jax, jax.numpy as jnp
import numpy as np

CUTOFF = 4.0
NUM_BASIS = 16

def bessel(x, start=0.0, end=CUTOFF, num_basis=NUM_BASIS):
    c = end - start
    n = jnp.arange(1, num_basis + 1, dtype=jnp.float32)
    xs = x[..., None] - start
    return jnp.sqrt(2.0 / c) * jnp.sin(n * jnp.pi * xs / c) / xs

def setup_inputs(seed: int = 0):
    key = jax.random.key(seed)
    k1, k2, k3, k4, k5 = jax.random.split(key, 5)
    N = 100000
    E = 1600000
    S = 100
    x = jax.random.randint(k1, (N,), 0, S, dtype=jnp.int64) if jax.config.read('jax_enable_x64') else jax.random.randint(k1, (N,), 0, S)
    positions = jax.random.normal(k2, (N, 3), dtype=jnp.float32)
    edge_index = jax.random.randint(k3, (2, E), 0, N)
    embed_node_x = jax.random.normal(k4, (S, 8), dtype=jnp.float32)
    embed_node_z = jax.random.normal(k5, (S, 8), dtype=jnp.float32)
    return {"x": x, "positions": positions, "edge_index": edge_index, "embed_node_x": embed_node_x, "embed_node_z": embed_node_z}

def reference(x, positions, edge_index, embed_node_x, embed_node_z):
    # h_node_x = self.embed_node_x(data.x); h_node_z = self.embed_node_z(data.x)
    h_node_x = jnp.take(embed_node_x, x, axis=0)
    h_node_z = jnp.take(embed_node_z, x, axis=0)
    # data.edge_attr = positions[edge_index[1]] - positions[edge_index[0]]  (pbc=False branch)
    edge_attr = jnp.take(positions, edge_index[1], axis=0) - jnp.take(positions, edge_index[0], axis=0)
    # h_edge = bessel(edge_attr.norm(dim=-1), start=0.0, end=cutoff, num_basis=16)
    r = jnp.linalg.norm(edge_attr, axis=-1)
    h_edge = bessel(r, 0.0, CUTOFF, NUM_BASIS)
    return (h_node_x, h_node_z, h_edge, edge_attr)

if __name__ == "__main__":
    import jax
    _d = setup_inputs()
    print(jax.jit(kernel)(*tuple(_d.values())))

</pallas_src>

<mosaic_0001>
#map = affine_map<(d0, d1) -> (0)>
module attributes {stable_mosaic.version = 14 : i64} {
  func.func @sc_kernel(%arg0: i32, %arg1: i32, %arg2: memref<300000xf32, #tpu.memory_space<hbm>>, %arg3: memref<3200000xi32, #tpu.memory_space<hbm>>, %arg4: memref<1601536xf32, #tpu.memory_space<hbm>>, %arg5: memref<1601536xf32, #tpu.memory_space<hbm>>, %arg6: memref<1601536xf32, #tpu.memory_space<hbm>>, %arg7: memref<100000xf32, #tpu.memory_space<vmem>>, %arg8: memref<2000xi32, #tpu.memory_space<vmem>>, %arg9: memref<2000xi32, #tpu.memory_space<vmem>>, %arg10: memref<2000xf32, #tpu.memory_space<vmem>>) attributes {dimension_semantics = [#tpu.dimension_semantics<core_parallel>, #tpu.dimension_semantics<subcore_parallel>], iteration_bounds = array<i64: 2, 16>, scalar_prefetch = 0 : i64, scratch_operands = 4 : i64, tpu.core_type = #tpu.core_type<sc_vector_subcore>, window_params = [{transform_indices = #map}, {transform_indices = #map}, {transform_indices = #map}, {transform_indices = #map}, {transform_indices = #map}]} {
    %mul3A = arith.constant 2 : i32
    %mul3A_0 = arith.muli %arg1, %mul3A : i32
    %add3A = arith.addi %mul3A_0, %arg0 : i32
    "tpu.region"() ({
      %run_scoped3A = tpu.sem_alloc : memref<!tpu.dma_semaphore, #tpu.memory_space<semaphore_mem>>
      %dma_start3A = arith.constant 0 : i32
      %dma_start3A_21 = tpu.memref_slice %arg2[%dma_start3A] : memref<300000xf32, #tpu.memory_space<hbm>> -> memref<100000xf32, #tpu.memory_space<hbm>>
      %dma_start3A_22 = arith.constant 0 : i32
      %dma_start3A_23 = tpu.memref_slice %arg2[%dma_start3A_22] : memref<300000xf32, #tpu.memory_space<hbm>> -> memref<100000xf32, #tpu.memory_space<hbm>>
      tpu.enqueue_dma source(%dma_start3A_23 : memref<100000xf32, #tpu.memory_space<hbm>>) target(%arg7 : memref<100000xf32, #tpu.memory_space<vmem>>) target_semaphore(%run_scoped3A : memref<!tpu.dma_semaphore, #tpu.memory_space<semaphore_mem>>)
      %dma_wait3A = arith.constant 0 : i32
      %dma_wait3A_24 = tpu.memref_slice %arg2[%dma_wait3A] : memref<300000xf32, #tpu.memory_space<hbm>> -> memref<100000xf32, #tpu.memory_space<hbm>>
      %dma_wait3A_25 = arith.constant 0 : i32
      %dma_wait3A_26 = tpu.memref_slice %arg2[%dma_wait3A_25] : memref<300000xf32, #tpu.memory_space<hbm>> -> memref<100000xf32, #tpu.memory_space<hbm>>
      tpu.wait_dma2 semaphore(%run_scoped3A : memref<!tpu.dma_semaphore, #tpu.memory_space<semaphore_mem>>) src(%dma_wait3A_26 : memref<100000xf32, #tpu.memory_space<hbm>>) dst(%arg7 : memref<100000xf32, #tpu.memory_space<vmem>>)
      tpu.yield
    }) : () -> ()
    %scan3A = arith.constant 0 : i32
    %scan3A_1 = arith.constant 0 : i32
    %scan3A_2 = arith.constant 25 : i32
    %scan3A_3 = arith.addi %scan3A_1, %scan3A_2 : i32
    %scan3A_4 = arith.constant 1 : i32
    %scan3A_5 = scf.for %scan3A_21 = %scan3A_1 to %scan3A_3 step %scan3A_4 iter_args(%scan3A_22 = %scan3A) -> (i32)  : i32 {
      %mul3A_23 = arith.constant 50000 : i32
      %mul3A_24 = arith.muli %add3A, %mul3A_23 : i32
      %mul3A_25 = arith.constant 2000 : i32
      %mul3A_26 = arith.muli %scan3A_21, %mul3A_25 : i32
      %add3A_27 = arith.addi %mul3A_24, %mul3A_26 : i32
      "tpu.region"() ({
        %run_scoped3A = tpu.sem_alloc : memref<!tpu.dma_semaphore, #tpu.memory_space<semaphore_mem>>
        %dma_start3A = tpu.memref_slice %arg3[%add3A_27] : memref<3200000xi32, #tpu.memory_space<hbm>> -> memref<2000xi32, #tpu.memory_space<hbm>>
        %dma_start3A_38 = tpu.memref_slice %arg3[%add3A_27] : memref<3200000xi32, #tpu.memory_space<hbm>> -> memref<2000xi32, #tpu.memory_space<hbm>>
        tpu.enqueue_dma source(%dma_start3A_38 : memref<2000xi32, #tpu.memory_space<hbm>>) target(%arg8 : memref<2000xi32, #tpu.memory_space<vmem>>) target_semaphore(%run_scoped3A : memref<!tpu.dma_semaphore, #tpu.memory_space<semaphore_mem>>)
        %dma_wait3A = tpu.memref_slice %arg3[%add3A_27] : memref<3200000xi32, #tpu.memory_space<hbm>> -> memref<2000xi32, #tpu.memory_space<hbm>>
        %dma_wait3A_39 = tpu.memref_slice %arg3[%add3A_27] : memref<3200000xi32, #tpu.memory_space<hbm>> -> memref<2000xi32, #tpu.memory_space<hbm>>
        tpu.wait_dma2 semaphore(%run_scoped3A : memref<!tpu.dma_semaphore, #tpu.memory_space<semaphore_mem>>) src(%dma_wait3A_39 : memref<2000xi32, #tpu.memory_space<hbm>>) dst(%arg8 : memref<2000xi32, #tpu.memory_space<vmem>>)
        tpu.yield
      }) : () -> ()
      %add3A_28 = arith.constant 1600000 : i32
      %add3A_29 = arith.addi %add3A_28, %add3A_27 : i32
      "tpu.region"() ({
        %run_scoped3A = tpu.sem_alloc : memref<!tpu.dma_semaphore, #tpu.memory_space<semaphore_mem>>
        %dma_start3A = tpu.memref_slice %arg3[%add3A_29] : memref<3200000xi32, #tpu.memory_space<hbm>> -> memref<2000xi32, #tpu.memory_space<hbm>>
        %dma_start3A_38 = tpu.memref_slice %arg3[%add3A_29] : memref<3200000xi32, #tpu.memory_space<hbm>> -> memref<2000xi32, #tpu.memory_space<hbm>>
        tpu.enqueue_dma source(%dma_start3A_38 : memref<2000xi32, #tpu.memory_space<hbm>>) target(%arg9 : memref<2000xi32, #tpu.memory_space<vmem>>) target_semaphore(%run_scoped3A : memref<!tpu.dma_semaphore, #tpu.memory_space<semaphore_mem>>)
        %dma_wait3A = tpu.memref_slice %arg3[%add3A_29] : memref<3200000xi32, #tpu.memory_space<hbm>> -> memref<2000xi32, #tpu.memory_space<hbm>>
        %dma_wait3A_39 = tpu.memref_slice %arg3[%add3A_29] : memref<3200000xi32, #tpu.memory_space<hbm>> -> memref<2000xi32, #tpu.memory_space<hbm>>
        tpu.wait_dma2 semaphore(%run_scoped3A : memref<!tpu.dma_semaphore, #tpu.memory_space<semaphore_mem>>) src(%dma_wait3A_39 : memref<2000xi32, #tpu.memory_space<hbm>>) dst(%arg9 : memref<2000xi32, #tpu.memory_space<vmem>>)
        tpu.yield
      }) : () -> ()
      %scan3A_30 = arith.constant 0 : i32
      %scan3A_31 = arith.constant 0 : i32
      %scan3A_32 = arith.constant 125 : i32
      %scan3A_33 = arith.addi %scan3A_31, %scan3A_32 : i32
      %scan3A_34 = arith.constant 1 : i32
      %scan3A_35 = scf.for %scan3A_38 = %scan3A_31 to %scan3A_33 step %scan3A_34 iter_args(%scan3A_39 = %scan3A_30) -> (i32)  : i32 {
        %mul3A_40 = arith.constant 16 : i32
        %mul3A_41 = arith.muli %scan3A_38, %mul3A_40 : i32
        %get3A = arith.index_cast %mul3A_41 : i32 to index
        %get3A_42 = tpu.vector_load %arg9[%get3A] {strides = array<i32>} : memref<2000xi32, #tpu.memory_space<vmem>>, vector<16xi32>,
        %gather3A = tpu.vector_load_idx %arg7[%get3A_42] : memref<100000xf32, #tpu.memory_space<vmem>>[vector<16xi32>], vector<16xf32>,
        %get3A_43 = arith.index_cast %mul3A_41 : i32 to index
        %get3A_44 = tpu.vector_load %arg8[%get3A_43] {strides = array<i32>} : memref<2000xi32, #tpu.memory_space<vmem>>, vector<16xi32>,
        %gather3A_45 = tpu.vector_load_idx %arg7[%get3A_44] : memref<100000xf32, #tpu.memory_space<vmem>>[vector<16xi32>], vector<16xf32>,
        %sub3A = arith.subf %gather3A, %gather3A_45 : vector<16xf32>
        %swap3A = arith.index_cast %mul3A_41 : i32 to index
        %swap3A_46 = tpu.vector_load %arg10[%swap3A] {strides = array<i32>} : memref<2000xf32, #tpu.memory_space<vmem>>, vector<16xf32>,
        tpu.vector_store %arg10[%swap3A], %sub3A {strides = array<i32>} : memref<2000xf32, #tpu.memory_space<vmem>>, vector<16xf32>,
        %scan3A_47 = arith.constant 0 : i32
        scf.yield %scan3A_47 : i32
      }
      %scan3A_36 = arith.constant 125 : i32
      "tpu.region"() ({
        %run_scoped3A = tpu.sem_alloc : memref<!tpu.dma_semaphore, #tpu.memory_space<semaphore_mem>>
        %dma_start3A = tpu.memref_slice %arg4[%add3A_27] : memref<1601536xf32, #tpu.memory_space<hbm>> -> memref<2000xf32, #tpu.memory_space<hbm>>
        %dma_start3A_38 = tpu.memref_slice %arg4[%add3A_27] : memref<1601536xf32, #tpu.memory_space<hbm>> -> memref<2000xf32, #tpu.memory_space<hbm>>
        tpu.enqueue_dma source(%arg10 : memref<2000xf32, #tpu.memory_space<vmem>>) target(%dma_start3A_38 : memref<2000xf32, #tpu.memory_space<hbm>>) target_semaphore(%run_scoped3A : memref<!tpu.dma_semaphore, #tpu.memory_space<semaphore_mem>>)
        %dma_wait3A = tpu.memref_slice %arg4[%add3A_27] : memref<1601536xf32, #tpu.memory_space<hbm>> -> memref<2000xf32, #tpu.memory_space<hbm>>
        %dma_wait3A_39 = tpu.memref_slice %arg4[%add3A_27] : memref<1601536xf32, #tpu.memory_space<hbm>> -> memref<2000xf32, #tpu.memory_space<hbm>>
        tpu.wait_dma2 semaphore(%run_scoped3A : memref<!tpu.dma_semaphore, #tpu.memory_space<semaphore_mem>>) src(%arg10 : memref<2000xf32, #tpu.memory_space<vmem>>) dst(%dma_wait3A_39 : memref<2000xf32, #tpu.memory_space<hbm>>)
        tpu.yield
      }) : () -> ()
      %scan3A_37 = arith.constant 0 : i32
      scf.yield %scan3A_37 : i32
    }
    %scan3A_6 = arith.constant 25 : i32
    "tpu.region"() ({
      %run_scoped3A = tpu.sem_alloc : memref<!tpu.dma_semaphore, #tpu.memory_space<semaphore_mem>>
      %dma_start3A = arith.constant 100000 : i32
      %dma_start3A_21 = tpu.memref_slice %arg2[%dma_start3A] : memref<300000xf32, #tpu.memory_space<hbm>> -> memref<100000xf32, #tpu.memory_space<hbm>>
      %dma_start3A_22 = arith.constant 100000 : i32
      %dma_start3A_23 = tpu.memref_slice %arg2[%dma_start3A_22] : memref<300000xf32, #tpu.memory_space<hbm>> -> memref<100000xf32, #tpu.memory_space<hbm>>
      tpu.enqueue_dma source(%dma_start3A_23 : memref<100000xf32, #tpu.memory_space<hbm>>) target(%arg7 : memref<100000xf32, #tpu.memory_space<vmem>>) target_semaphore(%run_scoped3A : memref<!tpu.dma_semaphore, #tpu.memory_space<semaphore_mem>>)
      %dma_wait3A = arith.constant 100000 : i32
      %dma_wait3A_24 = tpu.memref_slice %arg2[%dma_wait3A] : memref<300000xf32, #tpu.memory_space<hbm>> -> memref<100000xf32, #tpu.memory_space<hbm>>
      %dma_wait3A_25 = arith.constant 100000 : i32
      %dma_wait3A_26 = tpu.memref_slice %arg2[%dma_wait3A_25] : memref<300000xf32, #tpu.memory_space<hbm>> -> memref<100000xf32, #tpu.memory_space<hbm>>
      tpu.wait_dma2 semaphore(%run_scoped3A : memref<!tpu.dma_semaphore, #tpu.memory_space<semaphore_mem>>) src(%dma_wait3A_26 : memref<100000xf32, #tpu.memory_space<hbm>>) dst(%arg7 : memref<100000xf32, #tpu.memory_space<vmem>>)
      tpu.yield
    }) : () -> ()
    %scan3A_7 = arith.constant 0 : i32
    %scan3A_8 = arith.constant 0 : i32
    %scan3A_9 = arith.constant 25 : i32
    %scan3A_10 = arith.addi %scan3A_8, %scan3A_9 : i32
    %scan3A_11 = arith.constant 1 : i32
    %scan3A_12 = scf.for %scan3A_21 = %scan3A_8 to %scan3A_10 step %scan3A_11 iter_args(%scan3A_22 = %scan3A_7) -> (i32)  : i32 {
      %mul3A_23 = arith.constant 50000 : i32
      %mul3A_24 = arith.muli %add3A, %mul3A_23 : i32
      %mul3A_25 = arith.constant 2000 : i32
      %mul3A_26 = arith.muli %scan3A_21, %mul3A_25 : i32
      %add3A_27 = arith.addi %mul3A_24, %mul3A_26 : i32
      "tpu.region"() ({
        %run_scoped3A = tpu.sem_alloc : memref<!tpu.dma_semaphore, #tpu.memory_space<semaphore_mem>>
        %dma_start3A = tpu.memref_slice %arg3[%add3A_27] : memref<3200000xi32, #tpu.memory_space<hbm>> -> memref<2000xi32, #tpu.memory_space<hbm>>
        %dma_start3A_38 = tpu.memref_slice %arg3[%add3A_27] : memref<3200000xi32, #tpu.memory_space<hbm>> -> memref<2000xi32, #tpu.memory_space<hbm>>
        tpu.enqueue_dma source(%dma_start3A_38 : memref<2000xi32, #tpu.memory_space<hbm>>) target(%arg8 : memref<2000xi32, #tpu.memory_space<vmem>>) target_semaphore(%run_scoped3A : memref<!tpu.dma_semaphore, #tpu.memory_space<semaphore_mem>>)
        %dma_wait3A = tpu.memref_slice %arg3[%add3A_27] : memref<3200000xi32, #tpu.memory_space<hbm>> -> memref<2000xi32, #tpu.memory_space<hbm>>
        %dma_wait3A_39 = tpu.memref_slice %arg3[%add3A_27] : memref<3200000xi32, #tpu.memory_space<hbm>> -> memref<2000xi32, #tpu.memory_space<hbm>>
        tpu.wait_dma2 semaphore(%run_scoped3A : memref<!tpu.dma_semaphore, #tpu.memory_space<semaphore_mem>>) src(%dma_wait3A_39 : memref<2000xi32, #tpu.memory_space<hbm>>) dst(%arg8 : memref<2000xi32, #tpu.memory_space<vmem>>)
        tpu.yield
      }) : () -> ()
      %add3A_28 = arith.constant 1600000 : i32
      %add3A_29 = arith.addi %add3A_28, %add3A_27 : i32
      "tpu.region"() ({
        %run_scoped3A = tpu.sem_alloc : memref<!tpu.dma_semaphore, #tpu.memory_space<semaphore_mem>>
        %dma_start3A = tpu.memref_slice %arg3[%add3A_29] : memref<3200000xi32, #tpu.memory_space<hbm>> -> memref<2000xi32, #tpu.memory_space<hbm>>
        %dma_start3A_38 = tpu.memref_slice %arg3[%add3A_29] : memref<3200000xi32, #tpu.memory_space<hbm>> -> memref<2000xi32, #tpu.memory_space<hbm>>
        tpu.enqueue_dma source(%dma_start3A_38 : memref<2000xi32, #tpu.memory_space<hbm>>) target(%arg9 : memref<2000xi32, #tpu.memory_space<vmem>>) target_semaphore(%run_scoped3A : memref<!tpu.dma_semaphore, #tpu.memory_space<semaphore_mem>>)
        %dma_wait3A = tpu.memref_slice %arg3[%add3A_29] : memref<3200000xi32, #tpu.memory_space<hbm>> -> memref<2000xi32, #tpu.memory_space<hbm>>
        %dma_wait3A_39 = tpu.memref_slice %arg3[%add3A_29] : memref<3200000xi32, #tpu.memory_space<hbm>> -> memref<2000xi32, #tpu.memory_space<hbm>>
        tpu.wait_dma2 semaphore(%run_scoped3A : memref<!tpu.dma_semaphore, #tpu.memory_space<semaphore_mem>>) src(%dma_wait3A_39 : memref<2000xi32, #tpu.memory_space<hbm>>) dst(%arg9 : memref<2000xi32, #tpu.memory_space<vmem>>)
        tpu.yield
      }) : () -> ()
      %scan3A_30 = arith.constant 0 : i32
      %scan3A_31 = arith.constant 0 : i32
      %scan3A_32 = arith.constant 125 : i32
      %scan3A_33 = arith.addi %scan3A_31, %scan3A_32 : i32
      %scan3A_34 = arith.constant 1 : i32
      %scan3A_35 = scf.for %scan3A_38 = %scan3A_31 to %scan3A_33 step %scan3A_34 iter_args(%scan3A_39 = %scan3A_30) -> (i32)  : i32 {
        %mul3A_40 = arith.constant 16 : i32
        %mul3A_41 = arith.muli %scan3A_38, %mul3A_40 : i32
        %get3A = arith.index_cast %mul3A_41 : i32 to index
        %get3A_42 = tpu.vector_load %arg9[%get3A] {strides = array<i32>} : memref<2000xi32, #tpu.memory_space<vmem>>, vector<16xi32>,
        %gather3A = tpu.vector_load_idx %arg7[%get3A_42] : memref<100000xf32, #tpu.memory_space<vmem>>[vector<16xi32>], vector<16xf32>,
        %get3A_43 = arith.index_cast %mul3A_41 : i32 to index
        %get3A_44 = tpu.vector_load %arg8[%get3A_43] {strides = array<i32>} : memref<2000xi32, #tpu.memory_space<vmem>>, vector<16xi32>,
        %gather3A_45 = tpu.vector_load_idx %arg7[%get3A_44] : memref<100000xf32, #tpu.memory_space<vmem>>[vector<16xi32>], vector<16xf32>,
        %sub3A = arith.subf %gather3A, %gather3A_45 : vector<16xf32>
        %swap3A = arith.index_cast %mul3A_41 : i32 to index
        %swap3A_46 = tpu.vector_load %arg10[%swap3A] {strides = array<i32>} : memref<2000xf32, #tpu.memory_space<vmem>>, vector<16xf32>,
        tpu.vector_store %arg10[%swap3A], %sub3A {strides = array<i32>} : memref<2000xf32, #tpu.memory_space<vmem>>, vector<16xf32>,
        %scan3A_47 = arith.constant 0 : i32
        scf.yield %scan3A_47 : i32
      }
      %scan3A_36 = arith.constant 125 : i32
      "tpu.region"() ({
        %run_scoped3A = tpu.sem_alloc : memref<!tpu.dma_semaphore, #tpu.memory_space<semaphore_mem>>
        %dma_start3A = tpu.memref_slice %arg5[%add3A_27] : memref<1601536xf32, #tpu.memory_space<hbm>> -> memref<2000xf32, #tpu.memory_space<hbm>>
        %dma_start3A_38 = tpu.memref_slice %arg5[%add3A_27] : memref<1601536xf32, #tpu.memory_space<hbm>> -> memref<2000xf32, #tpu.memory_space<hbm>>
        tpu.enqueue_dma source(%arg10 : memref<2000xf32, #tpu.memory_space<vmem>>) target(%dma_start3A_38 : memref<2000xf32, #tpu.memory_space<hbm>>) target_semaphore(%run_scoped3A : memref<!tpu.dma_semaphore, #tpu.memory_space<semaphore_mem>>)
        %dma_wait3A = tpu.memref_slice %arg5[%add3A_27] : memref<1601536xf32, #tpu.memory_space<hbm>> -> memref<2000xf32, #tpu.memory_space<hbm>>
        %dma_wait3A_39 = tpu.memref_slice %arg5[%add3A_27] : memref<1601536xf32, #tpu.memory_space<hbm>> -> memref<2000xf32, #tpu.memory_space<hbm>>
        tpu.wait_dma2 semaphore(%run_scoped3A : memref<!tpu.dma_semaphore, #tpu.memory_space<semaphore_mem>>) src(%arg10 : memref<2000xf32, #tpu.memory_space<vmem>>) dst(%dma_wait3A_39 : memref<2000xf32, #tpu.memory_space<hbm>>)
        tpu.yield
      }) : () -> ()
      %scan3A_37 = arith.constant 0 : i32
      scf.yield %scan3A_37 : i32
    }
    %scan3A_13 = arith.constant 25 : i32
    "tpu.region"() ({
      %run_scoped3A = tpu.sem_alloc : memref<!tpu.dma_semaphore, #tpu.memory_space<semaphore_mem>>
      %dma_start3A = arith.constant 200000 : i32
      %dma_start3A_21 = tpu.memref_slice %arg2[%dma_start3A] : memref<300000xf32, #tpu.memory_space<hbm>> -> memref<100000xf32, #tpu.memory_space<hbm>>
      %dma_start3A_22 = arith.constant 200000 : i32
      %dma_start3A_23 = tpu.memref_slice %arg2[%dma_start3A_22] : memref<300000xf32, #tpu.memory_space<hbm>> -> memref<100000xf32, #tpu.memory_space<hbm>>
      tpu.enqueue_dma source(%dma_start3A_23 : memref<100000xf32, #tpu.memory_space<hbm>>) target(%arg7 : memref<100000xf32, #tpu.memory_space<vmem>>) target_semaphore(%run_scoped3A : memref<!tpu.dma_semaphore, #tpu.memory_space<semaphore_mem>>)
      %dma_wait3A = arith.constant 200000 : i32
      %dma_wait3A_24 = tpu.memref_slice %arg2[%dma_wait3A] : memref<300000xf32, #tpu.memory_space<hbm>> -> memref<100000xf32, #tpu.memory_space<hbm>>
      %dma_wait3A_25 = arith.constant 200000 : i32
      %dma_wait3A_26 = tpu.memref_slice %arg2[%dma_wait3A_25] : memref<300000xf32, #tpu.memory_space<hbm>> -> memref<100000xf32, #tpu.memory_space<hbm>>
      tpu.wait_dma2 semaphore(%run_scoped3A : memref<!tpu.dma_semaphore, #tpu.memory_space<semaphore_mem>>) src(%dma_wait3A_26 : memref<100000xf32, #tpu.memory_space<hbm>>) dst(%arg7 : memref<100000xf32, #tpu.memory_space<vmem>>)
      tpu.yield
    }) : () -> ()
    %scan3A_14 = arith.constant 0 : i32
    %scan3A_15 = arith.constant 0 : i32
    %scan3A_16 = arith.constant 25 : i32
    %scan3A_17 = arith.addi %scan3A_15, %scan3A_16 : i32
    %scan3A_18 = arith.constant 1 : i32
    %scan3A_19 = scf.for %scan3A_21 = %scan3A_15 to %scan3A_17 step %scan3A_18 iter_args(%scan3A_22 = %scan3A_14) -> (i32)  : i32 {
      %mul3A_23 = arith.constant 50000 : i32
      %mul3A_24 = arith.muli %add3A, %mul3A_23 : i32
      %mul3A_25 = arith.constant 2000 : i32
      %mul3A_26 = arith.muli %scan3A_21, %mul3A_25 : i32
      %add3A_27 = arith.addi %mul3A_24, %mul3A_26 : i32
      "tpu.region"() ({
        %run_scoped3A = tpu.sem_alloc : memref<!tpu.dma_semaphore, #tpu.memory_space<semaphore_mem>>
        %dma_start3A = tpu.memref_slice %arg3[%add3A_27] : memref<3200000xi32, #tpu.memory_space<hbm>> -> memref<2000xi32, #tpu.memory_space<hbm>>
        %dma_start3A_38 = tpu.memref_slice %arg3[%add3A_27] : memref<3200000xi32, #tpu.memory_space<hbm>> -> memref<2000xi32, #tpu.memory_space<hbm>>
        tpu.enqueue_dma source(%dma_start3A_38 : memref<2000xi32, #tpu.memory_space<hbm>>) target(%arg8 : memref<2000xi32, #tpu.memory_space<vmem>>) target_semaphore(%run_scoped3A : memref<!tpu.dma_semaphore, #tpu.memory_space<semaphore_mem>>)
        %dma_wait3A = tpu.memref_slice %arg3[%add3A_27] : memref<3200000xi32, #tpu.memory_space<hbm>> -> memref<2000xi32, #tpu.memory_space<hbm>>
        %dma_wait3A_39 = tpu.memref_slice %arg3[%add3A_27] : memref<3200000xi32, #tpu.memory_space<hbm>> -> memref<2000xi32, #tpu.memory_space<hbm>>
        tpu.wait_dma2 semaphore(%run_scoped3A : memref<!tpu.dma_semaphore, #tpu.memory_space<semaphore_mem>>) src(%dma_wait3A_39 : memref<2000xi32, #tpu.memory_space<hbm>>) dst(%arg8 : memref<2000xi32, #tpu.memory_space<vmem>>)
        tpu.yield
      }) : () -> ()
      %add3A_28 = arith.constant 1600000 : i32
      %add3A_29 = arith.addi %add3A_28, %add3A_27 : i32
      "tpu.region"() ({
        %run_scoped3A = tpu.sem_alloc : memref<!tpu.dma_semaphore, #tpu.memory_space<semaphore_mem>>
        %dma_start3A = tpu.memref_slice %arg3[%add3A_29] : memref<3200000xi32, #tpu.memory_space<hbm>> -> memref<2000xi32, #tpu.memory_space<hbm>>
        %dma_start3A_38 = tpu.memref_slice %arg3[%add3A_29] : memref<3200000xi32, #tpu.memory_space<hbm>> -> memref<2000xi32, #tpu.memory_space<hbm>>
        tpu.enqueue_dma source(%dma_start3A_38 : memref<2000xi32, #tpu.memory_space<hbm>>) target(%arg9 : memref<2000xi32, #tpu.memory_space<vmem>>) target_semaphore(%run_scoped3A : memref<!tpu.dma_semaphore, #tpu.memory_space<semaphore_mem>>)
        %dma_wait3A = tpu.memref_slice %arg3[%add3A_29] : memref<3200000xi32, #tpu.memory_space<hbm>> -> memref<2000xi32, #tpu.memory_space<hbm>>
        %dma_wait3A_39 = tpu.memref_slice %arg3[%add3A_29] : memref<3200000xi32, #tpu.memory_space<hbm>> -> memref<2000xi32, #tpu.memory_space<hbm>>
        tpu.wait_dma2 semaphore(%run_scoped3A : memref<!tpu.dma_semaphore, #tpu.memory_space<semaphore_mem>>) src(%dma_wait3A_39 : memref<2000xi32, #tpu.memory_space<hbm>>) dst(%arg9 : memref<2000xi32, #tpu.memory_space<vmem>>)
        tpu.yield
      }) : () -> ()
      %scan3A_30 = arith.constant 0 : i32
      %scan3A_31 = arith.constant 0 : i32
      %scan3A_32 = arith.constant 125 : i32
      %scan3A_33 = arith.addi %scan3A_31, %scan3A_32 : i32
      %scan3A_34 = arith.constant 1 : i32
      %scan3A_35 = scf.for %scan3A_38 = %scan3A_31 to %scan3A_33 step %scan3A_34 iter_args(%scan3A_39 = %scan3A_30) -> (i32)  : i32 {
        %mul3A_40 = arith.constant 16 : i32
        %mul3A_41 = arith.muli %scan3A_38, %mul3A_40 : i32
        %get3A = arith.index_cast %mul3A_41 : i32 to index
        %get3A_42 = tpu.vector_load %arg9[%get3A] {strides = array<i32>} : memref<2000xi32, #tpu.memory_space<vmem>>, vector<16xi32>,
        %gather3A = tpu.vector_load_idx %arg7[%get3A_42] : memref<100000xf32, #tpu.memory_space<vmem>>[vector<16xi32>], vector<16xf32>,
        %get3A_43 = arith.index_cast %mul3A_41 : i32 to index
        %get3A_44 = tpu.vector_load %arg8[%get3A_43] {strides = array<i32>} : memref<2000xi32, #tpu.memory_space<vmem>>, vector<16xi32>,
        %gather3A_45 = tpu.vector_load_idx %arg7[%get3A_44] : memref<100000xf32, #tpu.memory_space<vmem>>[vector<16xi32>], vector<16xf32>,
        %sub3A = arith.subf %gather3A, %gather3A_45 : vector<16xf32>
        %swap3A = arith.index_cast %mul3A_41 : i32 to index
        %swap3A_46 = tpu.vector_load %arg10[%swap3A] {strides = array<i32>} : memref<2000xf32, #tpu.memory_space<vmem>>, vector<16xf32>,
        tpu.vector_store %arg10[%swap3A], %sub3A {strides = array<i32>} : memref<2000xf32, #tpu.memory_space<vmem>>, vector<16xf32>,
        %scan3A_47 = arith.constant 0 : i32
        scf.yield %scan3A_47 : i32
      }
      %scan3A_36 = arith.constant 125 : i32
      "tpu.region"() ({
        %run_scoped3A = tpu.sem_alloc : memref<!tpu.dma_semaphore, #tpu.memory_space<semaphore_mem>>
        %dma_start3A = tpu.memref_slice %arg6[%add3A_27] : memref<1601536xf32, #tpu.memory_space<hbm>> -> memref<2000xf32, #tpu.memory_space<hbm>>
        %dma_start3A_38 = tpu.memref_slice %arg6[%add3A_27] : memref<1601536xf32, #tpu.memory_space<hbm>> -> memref<2000xf32, #tpu.memory_space<hbm>>
        tpu.enqueue_dma source(%arg10 : memref<2000xf32, #tpu.memory_space<vmem>>) target(%dma_start3A_38 : memref<2000xf32, #tpu.memory_space<hbm>>) target_semaphore(%run_scoped3A : memref<!tpu.dma_semaphore, #tpu.memory_space<semaphore_mem>>)
        %dma_wait3A = tpu.memref_slice %arg6[%add3A_27] : memref<1601536xf32, #tpu.memory_space<hbm>> -> memref<2000xf32, #tpu.memory_space<hbm>>
        %dma_wait3A_39 = tpu.memref_slice %arg6[%add3A_27] : memref<1601536xf32, #tpu.memory_space<hbm>> -> memref<2000xf32, #tpu.memory_space<hbm>>
        tpu.wait_dma2 semaphore(%run_scoped3A : memref<!tpu.dma_semaphore, #tpu.memory_space<semaphore_mem>>) src(%arg10 : memref<2000xf32, #tpu.memory_space<vmem>>) dst(%dma_wait3A_39 : memref<2000xf32, #tpu.memory_space<hbm>>)
        tpu.yield
      }) : () -> ()
      %scan3A_37 = arith.constant 0 : i32
      scf.yield %scan3A_37 : i32
    }
    %scan3A_20 = arith.constant 25 : i32
    return
  }
}

module attributes {stable_mosaic.version = 14 : i64} {
  func.func @body(%arg0: i32, %arg1: memref<1x1x3200xi32, #tpu.memory_space<vmem>>, %arg2: memref<16x100xf32, #tpu.memory_space<vmem>>, %arg3: memref<8x3200xf32, #tpu.memory_space<vmem>>, %arg4: memref<8x3200xf32, #tpu.memory_space<vmem>>) attributes {dimension_semantics = [#tpu.dimension_semantics<arbitrary>], iteration_bounds = array<i64: 32>, scalar_prefetch = 0 : i64, scratch_operands = 0 : i64, tpu.core_type = #tpu.core_type<tc>, window_params = [{transform_indices = @transform_0, window_bounds = array<i64: 1, 1, 3200>}, {pipeline_mode = #tpu.pipeline_mode<synchronous>, transform_indices = @transform_1, window_bounds = array<i64: 16, 100>}, {transform_indices = @transform_2, window_bounds = array<i64: 8, 3200>}, {transform_indices = @transform_3, window_bounds = array<i64: 8, 3200>}]} {
    %get3A = arith.constant 0 : index
    %get3A_0 = arith.constant 0 : index
    %get3A_1 = arith.constant 0 : index
    %get3A_2 = vector.load %arg1[%get3A, %get3A_0, %get3A_1] : memref<1x1x3200xi32, #tpu.memory_space<vmem>>, vector<1x1x3200xi32>
    %reshape3A = vector.shape_cast %get3A_2 : vector<1x1x3200xi32> to vector<1x3200xi32>
    %iota3A = tpu.iota {dimensions = array<i32: 0>} : vector<100x1xi32>
    %eq3A = vector.broadcast %reshape3A : vector<1x3200xi32> to vector<100x3200xi32>
    %eq3A_3 = vector.broadcast %iota3A : vector<100x1xi32> to vector<100x3200xi32>
    %eq3A_4 = arith.cmpi eq, %eq3A, %eq3A_3 : vector<100x3200xi32>
    %convert_element_type3A = arith.extui %eq3A_4 : vector<100x3200xi1> to vector<100x3200xi32>
    %convert_element_type3A_5 = arith.sitofp %convert_element_type3A : vector<100x3200xi32> to vector<100x3200xf32>
    %get3A_6 = arith.constant 0 : index
    %get3A_7 = arith.constant 0 : index
    %get3A_8 = vector.load %arg2[%get3A_6, %get3A_7] : memref<16x100xf32, #tpu.memory_space<vmem>>, vector<16x100xf32>
    %dot_general3A = arith.constant dense<0.000000e+00> : vector<16x3200xf32>
    %dot_general3A_9 = tpu.matmul %get3A_8, %convert_element_type3A_5, %dot_general3A {dimension_numbers = #tpu.dot_dimension_numbers<[1], [0], [0], [1], [0, 0, 1, 1], [], []>, transpose_lhs_hint = false} : vector<16x100xf32>, vector<100x3200xf32>, vector<16x3200xf32> -> vector<16x3200xf32>
    %slice3A = vector.extract_strided_slice %dot_general3A_9 {offsets = [0, 0], sizes = [8, 3200], strides = [1, 1]} : vector<16x3200xf32> to vector<8x3200xf32>
    %swap3A = arith.constant 0 : index
    %swap3A_10 = arith.constant 0 : index
    %swap3A_11 = vector.load %arg3[%swap3A, %swap3A_10] : memref<8x3200xf32, #tpu.memory_space<vmem>>, vector<8x3200xf32>
    tpu.vector_store %arg3[%swap3A, %swap3A_10], %slice3A {strides = array<i32>} : memref<8x3200xf32, #tpu.memory_space<vmem>>, vector<8x3200xf32>,
    %slice3A_12 = vector.extract_strided_slice %dot_general3A_9 {offsets = [8, 0], sizes = [8, 3200], strides = [1, 1]} : vector<16x3200xf32> to vector<8x3200xf32>
    %swap3A_13 = arith.constant 0 : index
    %swap3A_14 = arith.constant 0 : index
    %swap3A_15 = vector.load %arg4[%swap3A_13, %swap3A_14] : memref<8x3200xf32, #tpu.memory_space<vmem>>, vector<8x3200xf32>
    tpu.vector_store %arg4[%swap3A_13, %swap3A_14], %slice3A_12 {strides = array<i32>} : memref<8x3200xf32, #tpu.memory_space<vmem>>, vector<8x3200xf32>,
    return
  }
  func.func @transform_0(%arg0: i32) -> (i32, i32, i32) {
    %c0_i32 = arith.constant 0 : i32
    %c0_i32_0 = arith.constant 0 : i32
    %c0_i32_1 = arith.constant 0 : i32
    return %arg0, %c0_i32, %c0_i32_0 : i32, i32, i32
  }
  func.func @transform_1(%arg0: i32) -> (i32, i32) {
    %c0_i32 = arith.constant 0 : i32
    %c0_i32_0 = arith.constant 0 : i32
    %c0_i32_1 = arith.constant 0 : i32
    return %c0_i32, %c0_i32_0 : i32, i32
  }
  func.func @transform_2(%arg0: i32) -> (i32, i32) {
    %c0_i32 = arith.constant 0 : i32
    %c0_i32_0 = arith.constant 0 : i32
    return %c0_i32, %arg0 : i32, i32
  }
  func.func @transform_3(%arg0: i32) -> (i32, i32) {
    %c0_i32 = arith.constant 0 : i32
    %c0_i32_0 = arith.constant 0 : i32
    return %c0_i32, %arg0 : i32, i32
  }
}

module attributes {stable_mosaic.version = 14 : i64} {
  func.func @body(%arg0: i32, %arg1: memref<1x8x512xf32, #tpu.memory_space<vmem>>, %arg2: memref<1x8x512xf32, #tpu.memory_space<vmem>>, %arg3: memref<1x8x512xf32, #tpu.memory_space<vmem>>, %arg4: memref<16x1x8x512xf32, #tpu.memory_space<vmem>>, %arg5: memref<3x1x8x512xf32, #tpu.memory_space<vmem>>) attributes {dimension_semantics = [#tpu.dimension_semantics<arbitrary>], iteration_bounds = array<i64: 391>, scalar_prefetch = 0 : i64, scratch_operands = 0 : i64, tpu.core_type = #tpu.core_type<tc>, window_params = [{transform_indices = @transform_0, window_bounds = array<i64: 1, 8, 512>}, {transform_indices = @transform_1, window_bounds = array<i64: 1, 8, 512>}, {transform_indices = @transform_2, window_bounds = array<i64: 1, 8, 512>}, {transform_indices = @transform_3, window_bounds = array<i64: 16, 1, 8, 512>}, {transform_indices = @transform_4, window_bounds = array<i64: 3, 1, 8, 512>}]} {
    %get3A = arith.constant 0 : index
    %get3A_0 = arith.constant 0 : index
    %get3A_1 = arith.constant 0 : index
    %get3A_2 = vector.load %arg1[%get3A, %get3A_0, %get3A_1] : memref<1x8x512xf32, #tpu.memory_space<vmem>>, vector<1x8x512xf32>
    %reshape3A = vector.shape_cast %get3A_2 : vector<1x8x512xf32> to vector<8x512xf32>
    %get3A_3 = arith.constant 0 : index
    %get3A_4 = arith.constant 0 : index
    %get3A_5 = arith.constant 0 : index
    %get3A_6 = vector.load %arg2[%get3A_3, %get3A_4, %get3A_5] : memref<1x8x512xf32, #tpu.memory_space<vmem>>, vector<1x8x512xf32>
    %reshape3A_7 = vector.shape_cast %get3A_6 : vector<1x8x512xf32> to vector<8x512xf32>
    %get3A_8 = arith.constant 0 : index
    %get3A_9 = arith.constant 0 : index
    %get3A_10 = arith.constant 0 : index
    %get3A_11 = vector.load %arg3[%get3A_8, %get3A_9, %get3A_10] : memref<1x8x512xf32, #tpu.memory_space<vmem>>, vector<1x8x512xf32>
    %reshape3A_12 = vector.shape_cast %get3A_11 : vector<1x8x512xf32> to vector<8x512xf32>
    %mul3A = arith.mulf %reshape3A, %reshape3A : vector<8x512xf32>
    %mul3A_13 = arith.mulf %reshape3A_7, %reshape3A_7 : vector<8x512xf32>
    %add3A = arith.addf %mul3A, %mul3A_13 : vector<8x512xf32>
    %mul3A_14 = arith.mulf %reshape3A_12, %reshape3A_12 : vector<8x512xf32>
    %add3A_15 = arith.addf %add3A, %mul3A_14 : vector<8x512xf32>
    %rsqrt3A = math.rsqrt %add3A_15 : vector<8x512xf32>
    %mul3A_16 = arith.constant 0.707106769 : f32
    %mul3A_17 = vector.broadcast %mul3A_16 : f32 to vector<8x512xf32>
    %mul3A_18 = arith.mulf %mul3A_17, %rsqrt3A : vector<8x512xf32>
    %mul3A_19 = arith.mulf %add3A_15, %rsqrt3A : vector<8x512xf32>
    %mul3A_20 = arith.constant 0.785398185 : f32
    %mul3A_21 = vector.broadcast %mul3A_20 : f32 to vector<8x512xf32>
    %mul3A_22 = arith.mulf %mul3A_19, %mul3A_21 : vector<8x512xf32>
    %mul3A_23 = arith.constant 0.318309873 : f32
    %mul3A_24 = vector.broadcast %mul3A_23 : f32 to vector<8x512xf32>
    %mul3A_25 = arith.mulf %mul3A_22, %mul3A_24 : vector<8x512xf32>
    %add3A_26 = arith.constant 5.000000e-01 : f32
    %add3A_27 = vector.broadcast %add3A_26 : f32 to vector<8x512xf32>
    %add3A_28 = arith.addf %mul3A_25, %add3A_27 : vector<8x512xf32>
    %floor3A = math.floor %add3A_28 : vector<8x512xf32>
    %mul3A_29 = arith.constant 3.140625 : f32
    %mul3A_30 = vector.broadcast %mul3A_29 : f32 to vector<8x512xf32>
    %mul3A_31 = arith.mulf %floor3A, %mul3A_30 : vector<8x512xf32>
    %sub3A = arith.subf %mul3A_22, %mul3A_31 : vector<8x512xf32>
    %mul3A_32 = arith.constant 9.67653584E-4 : f32
    %mul3A_33 = vector.broadcast %mul3A_32 : f32 to vector<8x512xf32>
    %mul3A_34 = arith.mulf %floor3A, %mul3A_33 : vector<8x512xf32>
    %sub3A_35 = arith.subf %sub3A, %mul3A_34 : vector<8x512xf32>
    %mul3A_36 = arith.mulf %sub3A_35, %sub3A_35 : vector<8x512xf32>
    %mul3A_37 = arith.constant 2.59665126E-6 : f32
    %mul3A_38 = vector.broadcast %mul3A_37 : f32 to vector<8x512xf32>
    %mul3A_39 = arith.mulf %mul3A_36, %mul3A_38 : vector<8x512xf32>
    %add3A_40 = arith.constant -1.980500e-04 : f32
    %add3A_41 = vector.broadcast %add3A_40 : f32 to vector<8x512xf32>
    %add3A_42 = arith.addf %add3A_41, %mul3A_39 : vector<8x512xf32>
    %mul3A_43 = arith.mulf %mul3A_36, %add3A_42 : vector<8x512xf32>
    %add3A_44 = arith.constant 0.00833299104 : f32
    %add3A_45 = vector.broadcast %add3A_44 : f32 to vector<8x512xf32>
    %add3A_46 = arith.addf %add3A_45, %mul3A_43 : vector<8x512xf32>
    %mul3A_47 = arith.mulf %mul3A_36, %add3A_46 : vector<8x512xf32>
    %add3A_48 = arith.constant -0.166666552 : f32
    %add3A_49 = vector.broadcast %add3A_48 : f32 to vector<8x512xf32>
    %add3A_50 = arith.addf %add3A_49, %mul3A_47 : vector<8x512xf32>
    %mul3A_51 = arith.mulf %mul3A_36, %add3A_50 : vector<8x512xf32>
    %add3A_52 = arith.constant 1.000000e+00 : f32
    %add3A_53 = vector.broadcast %add3A_52 : f32 to vector<8x512xf32>
    %add3A_54 = arith.addf %add3A_53, %mul3A_51 : vector<8x512xf32>
    %mul3A_55 = arith.mulf %sub3A_35, %add3A_54 : vector<8x512xf32>
    %mul3A_56 = arith.constant 2.44331568E-5 : f32
    %mul3A_57 = vector.broadcast %mul3A_56 : f32 to vector<8x512xf32>
    %mul3A_58 = arith.mulf %mul3A_36, %mul3A_57 : vector<8x512xf32>
    %add3A_59 = arith.constant -0.00138873165 : f32
    %add3A_60 = vector.broadcast %add3A_59 : f32 to vector<8x512xf32>
    %add3A_61 = arith.addf %add3A_60, %mul3A_58 : vector<8x512xf32>
    %mul3A_62 = arith.mulf %mul3A_36, %add3A_61 : vector<8x512xf32>
    %add3A_63 = arith.constant 0.0416664183 : f32
    %add3A_64 = vector.broadcast %add3A_63 : f32 to vector<8x512xf32>
    %add3A_65 = arith.addf %add3A_64, %mul3A_62 : vector<8x512xf32>
    %mul3A_66 = arith.mulf %mul3A_36, %add3A_65 : vector<8x512xf32>
    %add3A_67 = arith.constant -5.000000e-01 : f32
    %add3A_68 = vector.broadcast %add3A_67 : f32 to vector<8x512xf32>
    %add3A_69 = arith.addf %add3A_68, %mul3A_66 : vector<8x512xf32>
    %mul3A_70 = arith.mulf %mul3A_36, %add3A_69 : vector<8x512xf32>
    %add3A_71 = arith.constant 1.000000e+00 : f32
    %add3A_72 = vector.broadcast %add3A_71 : f32 to vector<8x512xf32>
    %add3A_73 = arith.addf %add3A_72, %mul3A_70 : vector<8x512xf32>
    %convert_element_type3A = arith.fptosi %floor3A : vector<8x512xf32> to vector<8x512xi32>
    %and3A = arith.constant 1 : i32
    %and3A_74 = vector.broadcast %and3A : i32 to vector<8x512xi32>
    %and3A_75 = arith.andi %convert_element_type3A, %and3A_74 : vector<8x512xi32>
    %shift_left3A = arith.constant 31 : i32
    %shift_left3A_76 = vector.broadcast %shift_left3A : i32 to vector<8x512xi32>
    %shift_left3A_77 = arith.shli %and3A_75, %shift_left3A_76 : vector<8x512xi32>
    %bitcast_convert_type3A = tpu.bitcast %mul3A_55 : vector<8x512xf32> -> vector<8x512xi32>
    %xor3A = arith.xori %bitcast_convert_type3A, %shift_left3A_77 : vector<8x512xi32>
    %bitcast_convert_type3A_78 = tpu.bitcast %add3A_73 : vector<8x512xf32> -> vector<8x512xi32>
    %xor3A_79 = arith.xori %bitcast_convert_type3A_78, %shift_left3A_77 : vector<8x512xi32>
    %bitcast_convert_type3A_80 = tpu.bitcast %xor3A : vector<8x512xi32> -> vector<8x512xf32>
    %bitcast_convert_type3A_81 = tpu.bitcast %xor3A_79 : vector<8x512xi32> -> vector<8x512xf32>
    %add3A_82 = arith.addf %bitcast_convert_type3A_81, %bitcast_convert_type3A_81 : vector<8x512xf32>
    %mul3A_83 = arith.mulf %bitcast_convert_type3A_80, %mul3A_18 : vector<8x512xf32>
    %mul3A_84 = arith.mulf %add3A_82, %mul3A_83 : vector<8x512xf32>
    %swap3A = arith.constant 0 : index
    %swap3A_85 = arith.constant 0 : index
    %swap3A_86 = arith.constant 0 : index
    %swap3A_87 = arith.constant 0 : index
    %swap3A_88 = vector.load %arg5[%swap3A, %swap3A_85, %swap3A_86, %swap3A_87] : memref<3x1x8x512xf32, #tpu.memory_space<vmem>>, vector<1x1x8x512xf32>
    %swap3A_89 = vector.shape_cast %swap3A_88 : vector<1x1x8x512xf32> to vector<8x512xf32>
    %swap3A_90 = vector.shape_cast %reshape3A : vector<8x512xf32> to vector<1x1x8x512xf32>
    tpu.vector_store %arg5[%swap3A, %swap3A_85, %swap3A_86, %swap3A_87], %swap3A_90 {strides = array<i32>} : memref<3x1x8x512xf32, #tpu.memory_space<vmem>>, vector<1x1x8x512xf32>,
    %swap3A_91 = arith.constant 1 : index
    %swap3A_92 = arith.constant 0 : index
    %swap3A_93 = arith.constant 0 : index
    %swap3A_94 = arith.constant 0 : index
    %swap3A_95 = vector.load %arg5[%swap3A_91, %swap3A_92, %swap3A_93, %swap3A_94] : memref<3x1x8x512xf32, #tpu.memory_space<vmem>>, vector<1x1x8x512xf32>
    %swap3A_96 = vector.shape_cast %swap3A_95 : vector<1x1x8x512xf32> to vector<8x512xf32>
    %swap3A_97 = vector.shape_cast %reshape3A_7 : vector<8x512xf32> to vector<1x1x8x512xf32>
    tpu.vector_store %arg5[%swap3A_91, %swap3A_92, %swap3A_93, %swap3A_94], %swap3A_97 {strides = array<i32>} : memref<3x1x8x512xf32, #tpu.memory_space<vmem>>, vector<1x1x8x512xf32>,
    %swap3A_98 = arith.constant 2 : index
    %swap3A_99 = arith.constant 0 : index
    %swap3A_100 = arith.constant 0 : index
    %swap3A_101 = arith.constant 0 : index
    %swap3A_102 = vector.load %arg5[%swap3A_98, %swap3A_99, %swap3A_100, %swap3A_101] : memref<3x1x8x512xf32, #tpu.memory_space<vmem>>, vector<1x1x8x512xf32>
    %swap3A_103 = vector.shape_cast %swap3A_102 : vector<1x1x8x512xf32> to vector<8x512xf32>
    %swap3A_104 = vector.shape_cast %reshape3A_12 : vector<8x512xf32> to vector<1x1x8x512xf32>
    tpu.vector_store %arg5[%swap3A_98, %swap3A_99, %swap3A_100, %swap3A_101], %swap3A_104 {strides = array<i32>} : memref<3x1x8x512xf32, #tpu.memory_space<vmem>>, vector<1x1x8x512xf32>,
    %swap3A_105 = arith.constant 0 : index
    %swap3A_106 = arith.constant 0 : index
    %swap3A_107 = arith.constant 0 : index
    %swap3A_108 = arith.constant 0 : index
    %swap3A_109 = vector.load %arg4[%swap3A_105, %swap3A_106, %swap3A_107, %swap3A_108] : memref<16x1x8x512xf32, #tpu.memory_space<vmem>>, vector<1x1x8x512xf32>
    %swap3A_110 = vector.shape_cast %swap3A_109 : vector<1x1x8x512xf32> to vector<8x512xf32>
    %swap3A_111 = vector.shape_cast %mul3A_83 : vector<8x512xf32> to vector<1x1x8x512xf32>
    tpu.vector_store %arg4[%swap3A_105, %swap3A_106, %swap3A_107, %swap3A_108], %swap3A_111 {strides = array<i32>} : memref<16x1x8x512xf32, #tpu.memory_space<vmem>>, vector<1x1x8x512xf32>,
    %swap3A_112 = arith.constant 1 : index
    %swap3A_113 = arith.constant 0 : index
    %swap3A_114 = arith.constant 0 : index
    %swap3A_115 = arith.constant 0 : index
    %swap3A_116 = vector.load %arg4[%swap3A_112, %swap3A_113, %swap3A_114, %swap3A_115] : memref<16x1x8x512xf32, #tpu.memory_space<vmem>>, vector<1x1x8x512xf32>
    %swap3A_117 = vector.shape_cast %swap3A_116 : vector<1x1x8x512xf32> to vector<8x512xf32>
    %swap3A_118 = vector.shape_cast %mul3A_84 : vector<8x512xf32> to vector<1x1x8x512xf32>
    tpu.vector_store %arg4[%swap3A_112, %swap3A_113, %swap3A_114, %swap3A_115], %swap3A_118 {strides = array<i32>} : memref<16x1x8x512xf32, #tpu.memory_space<vmem>>, vector<1x1x8x512xf32>,
    %mul3A_119 = arith.mulf %add3A_82, %mul3A_84 : vector<8x512xf32>
    %sub3A_120 = arith.subf %mul3A_119, %mul3A_83 : vector<8x512xf32>
    %swap3A_121 = arith.constant 2 : index
    %swap3A_122 = arith.constant 0 : index
    %swap3A_123 = arith.constant 0 : index
    %swap3A_124 = arith.constant 0 : index
    %swap3A_125 = vector.load %arg4[%swap3A_121, %swap3A_122, %swap3A_123, %swap3A_124] : memref<16x1x8x512xf32, #tpu.memory_space<vmem>>, vector<1x1x8x512xf32>
    %swap3A_126 = vector.shape_cast %swap3A_125 : vector<1x1x8x512xf32> to vector<8x512xf32>
    %swap3A_127 = vector.shape_cast %sub3A_120 : vector<8x512xf32> to vector<1x1x8x512xf32>
    tpu.vector_store %arg4[%swap3A_121, %swap3A_122, %swap3A_123, %swap3A_124], %swap3A_127 {strides = array<i32>} : memref<16x1x8x512xf32, #tpu.memory_space<vmem>>, vector<1x1x8x512xf32>,
    %mul3A_128 = arith.mulf %add3A_82, %sub3A_120 : vector<8x512xf32>
    %sub3A_129 = arith.subf %mul3A_128, %mul3A_84 : vector<8x512xf32>
    %swap3A_130 = arith.constant 3 : index
    %swap3A_131 = arith.constant 0 : index
    %swap3A_132 = arith.constant 0 : index
    %swap3A_133 = arith.constant 0 : index
    %swap3A_134 = vector.load %arg4[%swap3A_130, %swap3A_131, %swap3A_132, %swap3A_133] : memref<16x1x8x512xf32, #tpu.memory_space<vmem>>, vector<1x1x8x512xf32>
    %swap3A_135 = vector.shape_cast %swap3A_134 : vector<1x1x8x512xf32> to vector<8x512xf32>
    %swap3A_136 = vector.shape_cast %sub3A_129 : vector<8x512xf32> to vector<1x1x8x512xf32>
    tpu.vector_store %arg4[%swap3A_130, %swap3A_131, %swap3A_132, %swap3A_133], %swap3A_136 {strides = array<i32>} : memref<16x1x8x512xf32, #tpu.memory_space<vmem>>, vector<1x1x8x512xf32>,
    %mul3A_137 = arith.mulf %add3A_82, %sub3A_129 : vector<8x512xf32>
    %sub3A_138 = arith.subf %mul3A_137, %sub3A_120 : vector<8x512xf32>
    %swap3A_139 = arith.constant 4 : index
    %swap3A_140 = arith.constant 0 : index
    %swap3A_141 = arith.constant 0 : index
    %swap3A_142 = arith.constant 0 : index
    %swap3A_143 = vector.load %arg4[%swap3A_139, %swap3A_140, %swap3A_141, %swap3A_142] : memref<16x1x8x512xf32, #tpu.memory_space<vmem>>, vector<1x1x8x512xf32>
    %swap3A_144 = vector.shape_cast %swap3A_143 : vector<1x1x8x512xf32> to vector<8x512xf32>
    %swap3A_145 = vector.shape_cast %sub3A_138 : vector<8x512xf32> to vector<1x1x8x512xf32>
    tpu.vector_store %arg4[%swap3A_139, %swap3A_140, %swap3A_141, %swap3A_142], %swap3A_145 {strides = array<i32>} : memref<16x1x8x512xf32, #tpu.memory_space<vmem>>, vector<1x1x8x512xf32>,
    %mul3A_146 = arith.mulf %add3A_82, %sub3A_138 : vector<8x512xf32>
    %sub3A_147 = arith.subf %mul3A_146, %sub3A_129 : vector<8x512xf32>
    %swap3A_148 = arith.constant 5 : index
    %swap3A_149 = arith.constant 0 : index
    %swap3A_150 = arith.constant 0 : index
    %swap3A_151 = arith.constant 0 : index
    %swap3A_152 = vector.load %arg4[%swap3A_148, %swap3A_149, %swap3A_150, %swap3A_151] : memref<16x1x8x512xf32, #tpu.memory_space<vmem>>, vector<1x1x8x512xf32>
    %swap3A_153 = vector.shape_cast %swap3A_152 : vector<1x1x8x512xf32> to vector<8x512xf32>
    %swap3A_154 = vector.shape_cast %sub3A_147 : vector<8x512xf32> to vector<1x1x8x512xf32>
    tpu.vector_store %arg4[%swap3A_148, %swap3A_149, %swap3A_150, %swap3A_151], %swap3A_154 {strides = array<i32>} : memref<16x1x8x512xf32, #tpu.memory_space<vmem>>, vector<1x1x8x512xf32>,
    %mul3A_155 = arith.mulf %add3A_82, %sub3A_147 : vector<8x512xf32>
    %sub3A_156 = arith.subf %mul3A_155, %sub3A_138 : vector<8x512xf32>
    %swap3A_157 = arith.constant 6 : index
    %swap3A_158 = arith.constant 0 : index
    %swap3A_159 = arith.constant 0 : index
    %swap3A_160 = arith.constant 0 : index
    %swap3A_161 = vector.load %arg4[%swap3A_157, %swap3A_158, %swap3A_159, %swap3A_160] : memref<16x1x8x512xf32, #tpu.memory_space<vmem>>, vector<1x1x8x512xf32>
    %swap3A_162 = vector.shape_cast %swap3A_161 : vector<1x1x8x512xf32> to vector<8x512xf32>
    %swap3A_163 = vector.shape_cast %sub3A_156 : vector<8x512xf32> to vector<1x1x8x512xf32>
    tpu.vector_store %arg4[%swap3A_157, %swap3A_158, %swap3A_159, %swap3A_160], %swap3A_163 {strides = array<i32>} : memref<16x1x8x512xf32, #tpu.memory_space<vmem>>, vector<1x1x8x512xf32>,
    %mul3A_164 = arith.mulf %add3A_82, %sub3A_156 : vector<8x512xf32>
    %sub3A_165 = arith.subf %mul3A_164, %sub3A_147 : vector<8x512xf32>
    %swap3A_166 = arith.constant 7 : index
    %swap3A_167 = arith.constant 0 : index
    %swap3A_168 = arith.constant 0 : index
    %swap3A_169 = arith.constant 0 : index
    %swap3A_170 = vector.load %arg4[%swap3A_166, %swap3A_167, %swap3A_168, %swap3A_169] : memref<16x1x8x512xf32, #tpu.memory_space<vmem>>, vector<1x1x8x512xf32>
    %swap3A_171 = vector.shape_cast %swap3A_170 : vector<1x1x8x512xf32> to vector<8x512xf32>
    %swap3A_172 = vector.shape_cast %sub3A_165 : vector<8x512xf32> to vector<1x1x8x512xf32>
    tpu.vector_store %arg4[%swap3A_166, %swap3A_167, %swap3A_168, %swap3A_169], %swap3A_172 {strides = array<i32>} : memref<16x1x8x512xf32, #tpu.memory_space<vmem>>, vector<1x1x8x512xf32>,
    %mul3A_173 = arith.mulf %add3A_82, %sub3A_165 : vector<8x512xf32>
    %sub3A_174 = arith.subf %mul3A_173, %sub3A_156 : vector<8x512xf32>
    %swap3A_175 = arith.constant 8 : index
    %swap3A_176 = arith.constant 0 : index
    %swap3A_177 = arith.constant 0 : index
    %swap3A_178 = arith.constant 0 : index
    %swap3A_179 = vector.load %arg4[%swap3A_175, %swap3A_176, %swap3A_177, %swap3A_178] : memref<16x1x8x512xf32, #tpu.memory_space<vmem>>, vector<1x1x8x512xf32>
    %swap3A_180 = vector.shape_cast %swap3A_179 : vector<1x1x8x512xf32> to vector<8x512xf32>
    %swap3A_181 = vector.shape_cast %sub3A_174 : vector<8x512xf32> to vector<1x1x8x512xf32>
    tpu.vector_store %arg4[%swap3A_175, %swap3A_176, %swap3A_177, %swap3A_178], %swap3A_181 {strides = array<i32>} : memref<16x1x8x512xf32, #tpu.memory_space<vmem>>, vector<1x1x8x512xf32>,
    %mul3A_182 = arith.mulf %add3A_82, %sub3A_174 : vector<8x512xf32>
    %sub3A_183 = arith.subf %mul3A_182, %sub3A_165 : vector<8x512xf32>
    %swap3A_184 = arith.constant 9 : index
    %swap3A_185 = arith.constant 0 : index
    %swap3A_186 = arith.constant 0 : index
    %swap3A_187 = arith.constant 0 : index
    %swap3A_188 = vector.load %arg4[%swap3A_184, %swap3A_185, %swap3A_186, %swap3A_187] : memref<16x1x8x512xf32, #tpu.memory_space<vmem>>, vector<1x1x8x512xf32>
    %swap3A_189 = vector.shape_cast %swap3A_188 : vector<1x1x8x512xf32> to vector<8x512xf32>
    %swap3A_190 = vector.shape_cast %sub3A_183 : vector<8x512xf32> to vector<1x1x8x512xf32>
    tpu.vector_store %arg4[%swap3A_184, %swap3A_185, %swap3A_186, %swap3A_187], %swap3A_190 {strides = array<i32>} : memref<16x1x8x512xf32, #tpu.memory_space<vmem>>, vector<1x1x8x512xf32>,
    %mul3A_191 = arith.mulf %add3A_82, %sub3A_183 : vector<8x512xf32>
    %sub3A_192 = arith.subf %mul3A_191, %sub3A_174 : vector<8x512xf32>
    %swap3A_193 = arith.constant 10 : index
    %swap3A_194 = arith.constant 0 : index
    %swap3A_195 = arith.constant 0 : index
    %swap3A_196 = arith.constant 0 : index
    %swap3A_197 = vector.load %arg4[%swap3A_193, %swap3A_194, %swap3A_195, %swap3A_196] : memref<16x1x8x512xf32, #tpu.memory_space<vmem>>, vector<1x1x8x512xf32>
    %swap3A_198 = vector.shape_cast %swap3A_197 : vector<1x1x8x512xf32> to vector<8x512xf32>
    %swap3A_199 = vector.shape_cast %sub3A_192 : vector<8x512xf32> to vector<1x1x8x512xf32>
    tpu.vector_store %arg4[%swap3A_193, %swap3A_194, %swap3A_195, %swap3A_196], %swap3A_199 {strides = array<i32>} : memref<16x1x8x512xf32, #tpu.memory_space<vmem>>, vector<1x1x8x512xf32>,
    %mul3A_200 = arith.mulf %add3A_82, %sub3A_192 : vector<8x512xf32>
    %sub3A_201 = arith.subf %mul3A_200, %sub3A_183 : vector<8x512xf32>
    %swap3A_202 = arith.constant 11 : index
    %swap3A_203 = arith.constant 0 : index
    %swap3A_204 = arith.constant 0 : index
    %swap3A_205 = arith.constant 0 : index
    %swap3A_206 = vector.load %arg4[%swap3A_202, %swap3A_203, %swap3A_204, %swap3A_205] : memref<16x1x8x512xf32, #tpu.memory_space<vmem>>, vector<1x1x8x512xf32>
    %swap3A_207 = vector.shape_cast %swap3A_206 : vector<1x1x8x512xf32> to vector<8x512xf32>
    %swap3A_208 = vector.shape_cast %sub3A_201 : vector<8x512xf32> to vector<1x1x8x512xf32>
    tpu.vector_store %arg4[%swap3A_202, %swap3A_203, %swap3A_204, %swap3A_205], %swap3A_208 {strides = array<i32>} : memref<16x1x8x512xf32, #tpu.memory_space<vmem>>, vector<1x1x8x512xf32>,
    %mul3A_209 = arith.mulf %add3A_82, %sub3A_201 : vector<8x512xf32>
    %sub3A_210 = arith.subf %mul3A_209, %sub3A_192 : vector<8x512xf32>
    %swap3A_211 = arith.constant 12 : index
    %swap3A_212 = arith.constant 0 : index
    %swap3A_213 = arith.constant 0 : index
    %swap3A_214 = arith.constant 0 : index
    %swap3A_215 = vector.load %arg4[%swap3A_211, %swap3A_212, %swap3A_213, %swap3A_214] : memref<16x1x8x512xf32, #tpu.memory_space<vmem>>, vector<1x1x8x512xf32>
    %swap3A_216 = vector.shape_cast %swap3A_215 : vector<1x1x8x512xf32> to vector<8x512xf32>
    %swap3A_217 = vector.shape_cast %sub3A_210 : vector<8x512xf32> to vector<1x1x8x512xf32>
    tpu.vector_store %arg4[%swap3A_211, %swap3A_212, %swap3A_213, %swap3A_214], %swap3A_217 {strides = array<i32>} : memref<16x1x8x512xf32, #tpu.memory_space<vmem>>, vector<1x1x8x512xf32>,
    %mul3A_218 = arith.mulf %add3A_82, %sub3A_210 : vector<8x512xf32>
    %sub3A_219 = arith.subf %mul3A_218, %sub3A_201 : vector<8x512xf32>
    %swap3A_220 = arith.constant 13 : index
    %swap3A_221 = arith.constant 0 : index
    %swap3A_222 = arith.constant 0 : index
    %swap3A_223 = arith.constant 0 : index
    %swap3A_224 = vector.load %arg4[%swap3A_220, %swap3A_221, %swap3A_222, %swap3A_223] : memref<16x1x8x512xf32, #tpu.memory_space<vmem>>, vector<1x1x8x512xf32>
    %swap3A_225 = vector.shape_cast %swap3A_224 : vector<1x1x8x512xf32> to vector<8x512xf32>
    %swap3A_226 = vector.shape_cast %sub3A_219 : vector<8x512xf32> to vector<1x1x8x512xf32>
    tpu.vector_store %arg4[%swap3A_220, %swap3A_221, %swap3A_222, %swap3A_223], %swap3A_226 {strides = array<i32>} : memref<16x1x8x512xf32, #tpu.memory_space<vmem>>, vector<1x1x8x512xf32>,
    %mul3A_227 = arith.mulf %add3A_82, %sub3A_219 : vector<8x512xf32>
    %sub3A_228 = arith.subf %mul3A_227, %sub3A_210 : vector<8x512xf32>
    %swap3A_229 = arith.constant 14 : index
    %swap3A_230 = arith.constant 0 : index
    %swap3A_231 = arith.constant 0 : index
    %swap3A_232 = arith.constant 0 : index
    %swap3A_233 = vector.load %arg4[%swap3A_229, %swap3A_230, %swap3A_231, %swap3A_232] : memref<16x1x8x512xf32, #tpu.memory_space<vmem>>, vector<1x1x8x512xf32>
    %swap3A_234 = vector.shape_cast %swap3A_233 : vector<1x1x8x512xf32> to vector<8x512xf32>
    %swap3A_235 = vector.shape_cast %sub3A_228 : vector<8x512xf32> to vector<1x1x8x512xf32>
    tpu.vector_store %arg4[%swap3A_229, %swap3A_230, %swap3A_231, %swap3A_232], %swap3A_235 {strides = array<i32>} : memref<16x1x8x512xf32, #tpu.memory_space<vmem>>, vector<1x1x8x512xf32>,
    %mul3A_236 = arith.mulf %add3A_82, %sub3A_228 : vector<8x512xf32>
    %sub3A_237 = arith.subf %mul3A_236, %sub3A_219 : vector<8x512xf32>
    %swap3A_238 = arith.constant 15 : index
    %swap3A_239 = arith.constant 0 : index
    %swap3A_240 = arith.constant 0 : index
    %swap3A_241 = arith.constant 0 : index
    %swap3A_242 = vector.load %arg4[%swap3A_238, %swap3A_239, %swap3A_240, %swap3A_241] : memref<16x1x8x512xf32, #tpu.memory_space<vmem>>, vector<1x1x8x512xf32>
    %swap3A_243 = vector.shape_cast %swap3A_242 : vector<1x1x8x512xf32> to vector<8x512xf32>
    %swap3A_244 = vector.shape_cast %sub3A_237 : vector<8x512xf32> to vector<1x1x8x512xf32>
    tpu.vector_store %arg4[%swap3A_238, %swap3A_239, %swap3A_240, %swap3A_241], %swap3A_244 {strides = array<i32>} : memref<16x1x8x512xf32, #tpu.memory_space<vmem>>, vector<1x1x8x512xf32>,
    return
  }
  func.func @transform_0(%arg0: i32) -> (i32, i32, i32) {
    %c0_i32 = arith.constant 0 : i32
    %c0_i32_0 = arith.constant 0 : i32
    %c0_i32_1 = arith.constant 0 : i32
    return %arg0, %c0_i32, %c0_i32_0 : i32, i32, i32
  }
  func.func @transform_1(%arg0: i32) -> (i32, i32, i32) {
    %c0_i32 = arith.constant 0 : i32
    %c0_i32_0 = arith.constant 0 : i32
    %c0_i32_1 = arith.constant 0 : i32
    return %arg0, %c0_i32, %c0_i32_0 : i32, i32, i32
  }
  func.func @transform_2(%arg0: i32) -> (i32, i32, i32) {
    %c0_i32 = arith.constant 0 : i32
    %c0_i32_0 = arith.constant 0 : i32
    %c0_i32_1 = arith.constant 0 : i32
    return %arg0, %c0_i32, %c0_i32_0 : i32, i32, i32
  }
  func.func @transform_3(%arg0: i32) -> (i32, i32, i32, i32) {
    %c0_i32 = arith.constant 0 : i32
    %c0_i32_0 = arith.constant 0 : i32
    %c0_i32_1 = arith.constant 0 : i32
    %c0_i32_2 = arith.constant 0 : i32
    return %c0_i32, %arg0, %c0_i32_0, %c0_i32_1 : i32, i32, i32, i32
  }
  func.func @transform_4(%arg0: i32) -> (i32, i32, i32, i32) {
    %c0_i32 = arith.constant 0 : i32
    %c0_i32_0 = arith.constant 0 : i32
    %c0_i32_1 = arith.constant 0 : i32
    %c0_i32_2 = arith.constant 0 : i32
    return %c0_i32, %arg0, %c0_i32_0, %c0_i32_1 : i32, i32, i32, i32
  }
}

</mosaic_0001>

<sc_bundles>
// kernel: kernel.5.cloned.1.call-start
scs
__scs_entry_jumppad:
0x0: {  	(pc) =	sbr.rel $0x88, $3  }
0x1: {  	(tag) =	ssettag $0x0;
	lr =	simm.s32 $0x1  }
0x2: {  	[smem:$0x3F9C] =	sst lr;
	_ =	strace $0xD0000000  }
0x3: {  	_ = 	snop  }
0x4: {  	_ = 	snop  }
0x5: {  	_ = 	snop  }
0x6: {  	_ = 	snop  }
0x7: {  	_ = 	snop  }
__scs_overlays_trampoline_lowered:
0x8: {  	[smem:$0x3FAB] =	sst s0  }
0x9: {  	[smem:$0x3FAC] =	sst s1  }
0xa: {  	[smem:$0x3FAD] =	sst s2  }
0xb: {  	[smem:$0x3FAE] =	sst s3  }
0xc: {  	[smem:$0x3FAF] =	sst s4  }
0xd: {  	[smem:$0x3FB0] =	sst s5  }
0xe: {  	[smem:$0x3FB1] =	sst s6  }
0xf: {  	[smem:$0x3FB2] =	sst s7  }
0x10: {  	[smem:$0x3FB3] =	sst s8  }
0x11: {  	[smem:$0x3FB4] =	sst s9;
	s0 =	simm.s32 @!p0 $0x0  }
0x12: {  	s1 =	sld [smem:$0x3F9A];
	s0 =	simm.s32 @p0 $0x1  }
0x13: {  	[smem:$0x3FB5] =	sst s0;
	s0 =	simm.s32 @!p1 $0x0  }
0x14: {  	s2 =	sld [smem:$0x3F99];
	s0 =	simm.s32 @p1 $0x1  }
0x15: {  	[smem:$0x3FB6] =	sst s0;
	s0 =	simm.s32 @!p2 $0x0  }
0x16: {  	s3 =	sld [smem:$0x3FDB];
	s0 =	simm.s32 @p2 $0x1  }
0x17: {  	s4 =	simm.s32 $0x1BF5;
	[smem:$0x3FB8] =	sst s0  }
0x18: {  	s0 =	sld [smem:$0x3F9B];
	_ =	swait.ge [sflag:s4], $0x0  }
0x19: {  	s7 =	sld [smem:$0x3F9C]  }
0x1a: {  	s8 =	sadd.s32 $0xFFFFE003, lr  }
0x1b: {  	s9 =	sadd.s32 $0xFFFFFEF7, lr;
	s5 =	simm.s32 $0xFFFFFFFF;
	p2 =	slt.u32 s8, $0xFFFFF086  }
0x1c: {  	p1 =	slt.u32 s9, $0xF7A;
	s5 =	simm.s32 @!p2 $0x0  }
0x1d: {  	s5 =	simm.s32 @p1 $0x1;
	p0 =	seq.s32 s7, s2  }
0x1e: {  	s7 =	smul.u32 @!p0 $0xF7A, s2;
	p2 =	seq.s32 @!p0 s5, $0x0  }
0x1f: {  	s9 =	smul.u32 $0xF7A, s1;
	s8 =	simm.s32 @!p0 $0x1BF5;
	p2 =	por !p2, p0  }
0x20: {  	[sflag:s8] =	ssyncset.s32 @!p0 $0xFFFFF086;
	s6 =	sadd.s32 @!p0 s3, s7;
	s7 =	simm.s32 @!p0 $0x108  }
0x21: {  	s3 =	sadd.s32 s3, s9;
	s6 =	sadd.s32 @!p0 $0x88, s6;
	s7 =	simm.s32 @p2 $0x1082  }
0x22: {  	[simem:s7], [sflag:s8] =	dma.local @!p0 [hbm:s6], $0xF7A  }
0x23: {  	s9 =	sor.u32 $0xD0000000, s2;
	s6 =	simm.s32 $0x108;
	_ =	swait.ge @!p0 [sflag:s8], $0x0  }
0x24: {  	s3 =	sadd.s32 $0x88, s3;
	s6 =	simm.s32 @!p1 $0x1082;
	[sflag:s4] =	ssyncset.s32 $0xFFFFF086  }
0x25: {  	[simem:s6], [sflag:s4] =	dma.local [hbm:s3], $0xF7A  }
0x26: {  	[smem:$0x3F9C] =	sst s1;
	(tag) =	ssettag s2;
	_ =	strace s9  }
0x27: {  	s1 =	sld [smem:$0x3FAC]  }
0x28: {  	s2 =	sld [smem:$0x3FAD]  }
0x29: {  	s4 =	sld [smem:$0x3FAF]  }
0x2a: {  	p0 =	seq.s32 s5, $0x0;
	s5 =	sld [smem:$0x3FB0]  }
0x2b: {  	s6 =	sld [smem:$0x3FB1]  }
0x2c: {  	s7 =	sld [smem:$0x3FB2]  }
0x2d: {  	s3 =	simm.s32 $0x108;
	s8 =	sld [smem:$0x3FB3]  }
0x2e: {  	s3 =	simm.s32 @!p0 $0x1082;
	s9 =	sld [smem:$0x3FB4]  }
0x2f: {  	lr =	sadd.s32 s0, s3;
	s0 =	sld [smem:$0x3FAB]  }
0x30: {  	s3 =	sld [smem:$0x3FAE]  }
0x31: {  	[smem:$0x3FB7] =	sst s10  }
0x32: {  	s10 =	sld [smem:$0x3FB5];
	_ =	sdelay $0x3  }
0x33: {  	p0 =	seq.s32 s10, $0x1;
	s10 =	sld [smem:$0x3FB7];
	_ =	sdelay $0x3  }
0x34: {  	[smem:$0x3FB7] =	sst s10  }
0x35: {  	s10 =	sld [smem:$0x3FB6];
	_ =	sdelay $0x3  }
0x36: {  	p1 =	seq.s32 s10, $0x1;
	s10 =	sld [smem:$0x3FB7];
	_ =	sdelay $0x3  }
0x37: {  	[smem:$0x3FB7] =	sst s10  }
0x38: {  	s10 =	sld [smem:$0x3FB8]  }
0x39: {  	_ = 	snop;
	(pc) =	sbr.ind lr, $3  }
0x3a: {  	_ = 	snop  }
0x3b: {  	_ = 	snop  }
0x3c: {  	p2 =	seq.s32 s10, $0x1;
	s10 =	sld [smem:$0x3FB7]  }
0x3d: {  	_ =	shalt  }
0x3e: {  	_ =	shalt  }
0x3f: {  	_ =	shalt  }
0x40: {  	_ =	shalt  }
0x41: {  	_ =	shalt  }
0x42: {  	_ =	shalt  }
0x43: {  	_ =	shalt  }
0x44: {  	_ =	shalt  }
0x45: {  	_ =	shalt  }
0x46: {  	_ =	shalt  }
0x47: {  	_ =	shalt  }
0x48: {  	_ =	shalt  }
0x49: {  	_ =	shalt  }
0x4a: {  	_ =	shalt  }
0x4b: {  	_ =	shalt  }
0x4c: {  	_ =	shalt  }
0x4d: {  	_ =	shalt  }
0x4e: {  	_ =	shalt  }
0x4f: {  	_ =	shalt  }
0x50: {  	_ =	shalt  }
0x51: {  	_ =	shalt  }
0x52: {  	_ =	shalt  }
0x53: {  	_ =	shalt  }
0x54: {  	_ =	shalt  }
0x55: {  	_ =	shalt  }
0x56: {  	_ =	shalt  }
0x57: {  	_ =	shalt  }
0x58: {  	_ =	shalt  }
0x59: {  	_ =	shalt  }
0x5a: {  	_ =	shalt  }
0x5b: {  	_ =	shalt  }
0x5c: {  	_ =	shalt  }
0x5d: {  	_ =	shalt  }
0x5e: {  	_ =	shalt  }
0x5f: {  	_ =	shalt  }
0x60: {  	_ =	shalt  }
0x61: {  	_ =	shalt  }
0x62: {  	_ =	shalt  }
0x63: {  	_ =	shalt  }
0x64: {  	_ =	shalt  }
0x65: {  	_ =	shalt  }
0x66: {  	_ =	shalt  }
0x67: {  	_ =	shalt  }
0x68: {  	_ =	shalt  }
0x69: {  	_ =	shalt  }
0x6a: {  	_ =	shalt  }
0x6b: {  	_ =	shalt  }
0x6c: {  	_ =	shalt  }
0x6d: {  	_ =	shalt  }
0x6e: {  	_ =	shalt  }
0x6f: {  	_ =	shalt  }
0x70: {  	_ =	shalt  }
0x71: {  	_ =	shalt  }
0x72: {  	_ =	shalt  }
0x73: {  	_ =	shalt  }
0x74: {  	_ =	shalt  }
0x75: {  	_ =	shalt  }
0x76: {  	_ =	shalt  }
0x77: {  	_ =	shalt  }
0x78: {  	_ =	shalt  }
0x79: {  	_ =	shalt  }
0x7a: {  	_ =	shalt  }
0x7b: {  	_ =	shalt  }
0x7c: {  	_ =	shalt  }
0x7d: {  	_ =	shalt  }
0x7e: {  	_ =	shalt  }
0x7f: {  	_ =	shalt  }
0x80: {  	_ =	shalt  }
0x81: {  	_ =	shalt  }
0x82: {  	_ =	shalt  }
0x83: {  	_ =	shalt  }
0x84: {  	_ =	shalt  }
0x85: {  	_ =	shalt  }
0x86: {  	_ =	shalt  }
0x87: {  	_ =	shalt  }
.Lfunc_end0:
.L_simem_size_0:
called_computation.1_lowered:
.L_overlay_start_0:
0x88: {  	s2 =	sld [smem:$0x3FD9]  }
0x89: {  	s3 =	sld [smem:$0x3FFE];
	_ =	sdelay $0x1  }
0x8a: {  	s1 =	srdreg.scid  }
0x8b: {  	s0 =	sand.u32 $0x1, s1  }
0x8c: {  	s14 =	sshll.u32 s0, $0xA;
	s2 =	sadd.s32 s3, s2  }
0x8d: {  	s2 =	sadd.s32 s2, s14  }
0x8e: {  	[smem:$0x3FC3] =	sst s2  }
0x8f: {  	_ = 	snop  }
0x90: {  	s2 =	sld [smem:$0x3FD0];
	_ =	sdelay $0x2  }
0x91: {  	s15 =	simm.s32 $0xA;
	s4 =	simm.s32 $0x10  }
0x92: {  	[smem:s4], [sflag:s15] =	dma.local [hbm:s2], $0x1  }
0x93: {  	_ =	swait.eq [sflag:s15], $0x1  }
0x94: {  	[sflag:s15] =	ssyncset.done $0x0  }
0x95: {  	s16 =	sld [smem:$0x12];
	[sflag:s15] =	ssyncadd.s32 $0xFFFFFFFF  }
0x96: {  	s17 =	sld [smem:$0x13];
	(tm) =	ssettm $0x1  }
0x97: {  	s18 =	sld [smem:$0x3FFB];
	_ =	sdelay $0x3  }
0x98: {  	_ =	strace s18  }
0x99: {  	s4 =	sld [smem:$0x3FFC];
	_ =	sdelay $0x3  }
0x9a: {  	_ =	strace s4  }
0x9b: {  	s4 =	sld [smem:$0x3FFD];
	_ =	sdelay $0x3  }
0x9c: {  	_ =	strace s4  }
0x9d: {  	_ =	strace $0x8FFFFFFF  }
0x9e: {  	s19 =	sld [smem:$0x3FDB];
	_ =	sdelay $0x1  }
0x9f: {  	s5 =	simm.s32 $_scs_section_size  }
0xa0: {  	s6 =	simm.s32 $_size__tile_overlayer_lowered;
	s7 =	simm.s32 $_tile_overlayer_lowered  }
0xa1: {  	s22 =	simm.s32 $0x1BFF;
	s21 =	sshll.u32 s7, $0x1;
	s4 =	sadd.s32 s5, s19  }
0xa2: {  	s8 =	simm.s32 $0x0;
	s20 =	sshll.u32 s6, $0x1;
	s6 =	sadd.s32 s21, s4  }
0xa3: {  	[timem:s8], [sflag:s22] =	dma.local [hbm:s6], s20  }
0xa4: {  	_ =	swait.ge [sflag:s22], s20  }
0xa5: {  	s5 =	ssub.s32 $0x0, s20;
	[sflag:s22] =	ssyncset.done $0x0  }
0xa6: {  	[sflag:s22] =	ssyncadd.s32 s5;
	_ =	sdelay $0x1  }
0xa7: {  	s23 =	simm.s32 $0x1B8B  }
0xa8: {  	_ =	swait.ge [sflag:s23], $0x1  }
0xa9: {  	[sflag:s23] =	ssyncset.done $0x0  }
0xaa: {  	s25 =	simm.s32 $0x1B8E;
	s24 =	sld [smem:$0x3FFE];
	[sflag:s23] =	ssyncadd.s32 $0xFFFFFFFF  }
0xab: {  	s26 =	simm.s32 $execute0_lowered;
	[smem:$0x3FD2] =	sst s25  }
0xac: {  	s6 =	sshll.u32 s26, $0x1;
	_ =	strace $0x80000046;
	[dreg:$0x1] =	wrdreg $0xFFFFFFFF  }
0xad: {  	s28 =	simm.s32 $_size_execute0_lowered;
	s4 =	sadd.s32 s4, s6;
	[dreg:$0x0] =	wrdreg $0x0  }
0xae: {  	s6 =	sshll.u32 s28, $0x1;
	[dreg:$0x2] =	wrdreg s4  }
0xaf: {  	[dreg:$0x3] =	wrdreg s6  }
0xb0: {  	[dreg:$0x4] =	wrdreg $0xC0  }
0xb1: {  	_ =	task [dreg:s8], $0x5FFFF  }
0xb2: {  	[dreg:$0x1] =	wrdreg $0xFFFFFFFF  }
0xb3: {  	[dreg:$0x0] =	wrdreg $0x60  }
0xb4: {  	[dreg:$0x2] =	wrdreg s24  }
0xb5: {  	[dreg:$0x3] =	wrdreg s17  }
0xb6: {  	[dreg:$0x4] =	wrdreg s16  }
0xb7: {  	[dreg:$0x5] =	wrdreg $0x9  }
0xb8: {  	_ =	task.clear_ibuf [dreg:s8], $0x6FFFF;
	_ =	strace $0x90000046  }
0xb9: {  	s29 =	simm.s32 $0x9;
	_ =	strace $0x80000048  }
0xba: {  	_ =	swait.ge [sflag:s29], $0x1  }
0xbb: {  	[sflag:s29] =	ssyncadd.s32 $0xFFFFFFFF  }
0xbc: {  	_ =	strace $0x90000048  }
0xbd: {  	_ =	sfence  }
0xbe: {  	s30 =	sld [smem:$0x0];
	_ =	sdelay $0x2  }
0xbf: {  	s31 =	sshll.u32 s1, $0xD;
	s1 =	sshrl.u32 s1, $0x2  }
0xc0: {  	s3 =	sand.u32 $0x4000, s31;
	s1 =	sadd.s32 s1, s30  }
0xc1: {  	s0 =	sor.u32 s3, s0;
	s1 =	sshll.u32 s1, $0x11  }
0xc2: {  	s0 =	sor.u32 s1, s0  }
0xc3: {  	s0 =	sadd.s32 $0x8F2B, s0  }
0xc4: {  	[sflag:s0] =	ssyncadd.remote.s32 $0x1  }
0xc5: {  	_ =	sfence.sel $0xFFFF  }
0xc6: {  	[dreg:$0x0] =	wrdreg $0xFFFFFFFF;
	(pc) =	sbr.abs _section_cstart, $3  }
0xc7: {  	[dreg:$0x1] =	wrdreg $0xFFFFFFFF  }
0xc8: {  	_ =	task.clear_ibuf [dreg:s8], $0x2FFFF;
	_ =	strace $0x9FFFFFFF  }
0xc9: {  	(tm) =	ssettm $0x7FFFFFFF  }
tec
execute0_lowered:
.L_overlay_start_1:
0x0: {  	(tag) =	ssettag $0x1  }
0x1: {  	s10 =	rddreg [dreg:$0x0]  }
0x2: {  	s1 =	rddreg [dreg:$0x1]  }
0x3: {  	s2 =	rddreg [dreg:$0x2]  }
0x4: {  	s0 =	rddreg [dreg:$0x3];
	s3 =	simm.s32 $0x0;
	s4 =	srdreg.scid  }
0x5: {  	s13 =	simm.s32 $0x18700;
	s14 =	simm.s32 $0x18F00;
	s15 =	simm.s32 $0x19700  }
0x6: {  	s16 =	simm.s32 $0x0;
	[smem:$0x7FF] =	sst s3;
	s8 =	sand.u32 $0x1, s4  }
0x7: {  	s5 =	sadd.s32 $0x2400, s10;
	s4 =	stileid.u32;
	s6 =	sadd.s32 $0xB800, s10  }
0x8: {  	s7 =	sadd.s32 $0x3C600, s10;
	s9 =	ssub.s32 $0x2, s8;
	s12 =	sshll.u32 s4, $0x1  }
0x9: {  	_ =	strace $0x80000047;
	s11 =	sshrl.u32 s9, $0x1;
	s8 =	sor.u32 s8, s12  }
0xa: {  	s12 =	simm.s32 $0x1;
	s11 =	ssub.s32 s9, s11;
	s8 =	smul.u32 $0xC350, s8  }
0xb: {  	s9 =	sadd.s32 $0x54D4, s10;
	s10 =	sadd.s32 $0x85A8, s10;
	s11 =	smax.u32 s11, $0x1  }
.LBB2_1:
0xc: {  	[tilespmem:s3], [sflag:$0x1] =	stream.linear.gather [hbm4b:s5+s3], $0x186A0, $0x38;
	[tilespmem:$0x19F00] =	vst v63  }
0xd: {  	_ =	swait.ge [sflag:s12], $0x186A0  }
0xe: {  	[sflag:s12] =	ssyncset.done $0x0  }
0xf: {  	s17 =	simm.s32 $0x0;
	[sflag:s12] =	ssyncadd.s32 $0xFFFE7960  }
.LBB2_2:
0x10: {  	s18 =	smul.u32 $0x7D0, s17;
	_ =	sdelay $0x1  }
0x11: {  	s18 =	sadd.s32 s8, s18  }
0x12: {  	s18 =	sshrl.u32 s18, $0x3  }
0x13: {  	s20 =	simm.s32 $0x0;
	s19 =	sadd.s32 s1, s18  }
0x14: {  	[tilespmem:s13], [sflag:$0x1] =	stream.linear.gather [hbm4b:s19+s20], $0x7D0, $0x38;
	[tilespmem:$0x19F00] =	vst v63  }
0x15: {  	_ =	swait.ge [sflag:s12], $0x7D0  }
0x16: {  	[sflag:s12] =	ssyncset.done $0x0  }
0x17: {  	s19 =	sadd.s32 $0x30D40, s19;
	[sflag:s12] =	ssyncadd.s32 $0xFFFFF830  }
0x18: {  	[tilespmem:s14], [sflag:$0x1] =	stream.linear.gather [hbm4b:s19+s20], $0x7D0, $0x38;
	[tilespmem:$0x19F00] =	vst v63  }
0x19: {  	_ =	swait.ge [sflag:s12], $0x7D0  }
0x1a: {  	[sflag:s12] =	ssyncset.done $0x0  }
0x1b: {  	s19 =	simm.s32 $0x0;
	[sflag:s12] =	ssyncadd.s32 $0xFFFFF830  }
0x1c: {  	v0 =	vld [tilespmem:s19+$0x18700]  }
0x1d: {  	v1 =	vld [tilespmem:s19+$0x18F00];
	_ =	sdelay $0x6  }
0x1e: {  	v0 =	vld.idx.msk [tilespmem:v0+s3+$0x0], $0xffff  }
0x1f: {  	s20 =	simm.s32 $0x10;
	v2 =	vld.idx.msk [tilespmem:v1+s3+$0x0], $0xffff  }
0x20: {  	s21 =	simm.s32 $0x80;
	v1 =	vld [tilespmem:s20+$0x18700]  }
.LBB2_3:
0x21: {  	p0 =	sne.s32 s21, $0x1F00;
	v3 =	vld [tilespmem:s20+$0x18F00];
	_ =	sdelay $0x3  }
0x22: {  	v0 =	vsub.f32 v2, v0  }
.Ltmp0:
0x23: {  	(pc) =	sbr.rel @p0 .LBB2_3-.Ltmp0, $4  }
0x24: {  	[tilespmem:s19+$0x19700] =	vst v0;
	s19 =	smov.u32 s20  }
0x25: {  	v0 =	vld.idx.msk [tilespmem:v1+s3+$0x0], $0xffff  }
0x26: {  	s20 =	sshra.s32 s21, $0x2;
	v2 =	vld.idx.msk [tilespmem:v3+s3+$0x0], $0xffff  }
0x27: {  	s21 =	sadd.s32 $0x40, s21;
	v1 =	vld [tilespmem:s20+$0x18700]  }
0x28: {  	_ = 	snop  }
0x29: {  	v3 =	vld [tilespmem:s20+$0x18F00];
	_ =	sdelay $0x3  }
0x2a: {  	v0 =	vsub.f32 v2, v0;
	_ =	sdelay $0x1  }
0x2b: {  	[tilespmem:s19+$0x19700] =	vst v0  }
0x2c: {  	v0 =	vld.idx.msk [tilespmem:v1+s3+$0x0], $0xffff  }
0x2d: {  	v63 =	vld.idx.msk [tilespmem:v3+s3+$0x0], $0xffff;
	_ =	sdelay $0x4  }
0x2e: {  	s17 =	sadd.s32 $0x1, s17;
	v0 =	vsub.f32 v63, v0  }
0x2f: {  	p0 =	sne.s32 s17, $0x19  }
.Ltmp1:
0x30: {  	s18 =	sadd.s32 s2, s18;
	[tilespmem:s20+$0x19700] =	vst v0;
	(pc) =	sbr.rel @p0 .LBB2_2-.Ltmp1, $4  }
0x31: {  	[hbm4b:s18+s3] =	stream.linear.scatter [tilespmem:s15], [sflag:$0x1], $0x7D0, $0x38;
	[tilespmem:$0x19F00] =	vst v63  }
0x32: {  	_ =	swait.ge [sflag:s12], $0x7D0  }
0x33: {  	[sflag:s12] =	ssyncset.done $0x0  }
0x34: {  	[sflag:s12] =	ssyncadd.s32 $0xFFFFF830  }
0x35: {  	s17 =	simm.s32 $0x0  }
0x36: {  	[tilespmem:s17], [sflag:$0x1] =	stream.linear.gather [hbm4b:s9+s17], $0x186A0, $0x38;
	[tilespmem:$0x19F00] =	vst v63  }
0x37: {  	_ =	swait.ge [sflag:s12], $0x186A0  }
0x38: {  	[sflag:s12] =	ssyncset.done $0x0  }
0x39: {  	s18 =	simm.s32 $0x0;
	[sflag:s12] =	ssyncadd.s32 $0xFFFE7960  }
.LBB2_6:
0x3a: {  	s19 =	smul.u32 $0x7D0, s18;
	_ =	sdelay $0x1  }
0x3b: {  	s19 =	sadd.s32 s8, s19  }
0x3c: {  	s19 =	sshrl.u32 s19, $0x3  }
0x3d: {  	s20 =	sadd.s32 s1, s19  }
0x3e: {  	[tilespmem:s13], [sflag:$0x1] =	stream.linear.gather [hbm4b:s20+s17], $0x7D0, $0x38;
	[tilespmem:$0x19F00] =	vst v63  }
0x3f: {  	_ =	swait.ge [sflag:s12], $0x7D0  }
0x40: {  	[sflag:s12] =	ssyncset.done $0x0  }
0x41: {  	s20 =	sadd.s32 $0x30D40, s20;
	[sflag:s12] =	ssyncadd.s32 $0xFFFFF830  }
0x42: {  	[tilespmem:s14], [sflag:$0x1] =	stream.linear.gather [hbm4b:s20+s17], $0x7D0, $0x38;
	[tilespmem:$0x19F00] =	vst v63  }
0x43: {  	_ =	swait.ge [sflag:s12], $0x7D0  }
0x44: {  	[sflag:s12] =	ssyncset.done $0x0  }
0x45: {  	s20 =	simm.s32 $0x0;
	[sflag:s12] =	ssyncadd.s32 $0xFFFFF830  }
0x46: {  	v0 =	vld [tilespmem:s20+$0x18700]  }
0x47: {  	v1 =	vld [tilespmem:s20+$0x18F00];
	_ =	sdelay $0x6  }
0x48: {  	v0 =	vld.idx.msk [tilespmem:v0+s3+$0x0], $0xffff  }
0x49: {  	s21 =	simm.s32 $0x10;
	v2 =	vld.idx.msk [tilespmem:v1+s3+$0x0], $0xffff  }
0x4a: {  	s22 =	simm.s32 $0x80;
	v1 =	vld [tilespmem:s21+$0x18700]  }
.LBB2_7:
0x4b: {  	p0 =	sne.s32 s22, $0x1F00;
	v3 =	vld [tilespmem:s21+$0x18F00];
	_ =	sdelay $0x3  }
0x4c: {  	v0 =	vsub.f32 v2, v0  }
.Ltmp2:
0x4d: {  	(pc) =	sbr.rel @p0 .LBB2_7-.Ltmp2, $4  }
0x4e: {  	[tilespmem:s20+$0x19700] =	vst v0;
	s20 =	smov.u32 s21  }
0x4f: {  	v0 =	vld.idx.msk [tilespmem:v1+s3+$0x0], $0xffff  }
0x50: {  	s21 =	sshra.s32 s22, $0x2;
	v2 =	vld.idx.msk [tilespmem:v3+s3+$0x0], $0xffff  }
0x51: {  	s22 =	sadd.s32 $0x40, s22;
	v1 =	vld [tilespmem:s21+$0x18700]  }
0x52: {  	_ = 	snop  }
0x53: {  	v3 =	vld [tilespmem:s21+$0x18F00];
	_ =	sdelay $0x3  }
0x54: {  	v0 =	vsub.f32 v2, v0;
	_ =	sdelay $0x1  }
0x55: {  	[tilespmem:s20+$0x19700] =	vst v0  }
0x56: {  	v0 =	vld.idx.msk [tilespmem:v1+s3+$0x0], $0xffff  }
0x57: {  	v63 =	vld.idx.msk [tilespmem:v3+s3+$0x0], $0xffff;
	_ =	sdelay $0x4  }
0x58: {  	s18 =	sadd.s32 $0x1, s18;
	v0 =	vsub.f32 v63, v0  }
0x59: {  	p0 =	sne.s32 s18, $0x19  }
.Ltmp3:
0x5a: {  	s19 =	sadd.s32 s6, s19;
	[tilespmem:s21+$0x19700] =	vst v0;
	(pc) =	sbr.rel @p0 .LBB2_6-.Ltmp3, $4  }
0x5b: {  	[hbm4b:s19+s3] =	stream.linear.scatter [tilespmem:s15], [sflag:$0x1], $0x7D0, $0x38;
	[tilespmem:$0x19F00] =	vst v63  }
0x5c: {  	_ =	swait.ge [sflag:s12], $0x7D0  }
0x5d: {  	[sflag:s12] =	ssyncset.done $0x0  }
0x5e: {  	[sflag:s12] =	ssyncadd.s32 $0xFFFFF830  }
0x5f: {  	s17 =	simm.s32 $0x0  }
0x60: {  	[tilespmem:s17], [sflag:$0x1] =	stream.linear.gather [hbm4b:s10+s17], $0x186A0, $0x38;
	[tilespmem:$0x19F00] =	vst v63  }
0x61: {  	_ =	swait.ge [sflag:s12], $0x186A0  }
0x62: {  	[sflag:s12] =	ssyncset.done $0x0  }
0x63: {  	s18 =	simm.s32 $0x0;
	[sflag:s12] =	ssyncadd.s32 $0xFFFE7960  }
.LBB2_10:
0x64: {  	s19 =	smul.u32 $0x7D0, s18;
	_ =	sdelay $0x1  }
0x65: {  	s19 =	sadd.s32 s8, s19  }
0x66: {  	s19 =	sshrl.u32 s19, $0x3  }
0x67: {  	s20 =	sadd.s32 s1, s19  }
0x68: {  	[tilespmem:s13], [sflag:$0x1] =	stream.linear.gather [hbm4b:s20+s17], $0x7D0, $0x38;
	[tilespmem:$0x19F00] =	vst v63  }
0x69: {  	_ =	swait.ge [sflag:s12], $0x7D0  }
0x6a: {  	[sflag:s12] =	ssyncset.done $0x0  }
0x6b: {  	s20 =	sadd.s32 $0x30D40, s20;
	[sflag:s12] =	ssyncadd.s32 $0xFFFFF830  }
0x6c: {  	[tilespmem:s14], [sflag:$0x1] =	stream.linear.gather [hbm4b:s20+s17], $0x7D0, $0x38;
	[tilespmem:$0x19F00] =	vst v63  }
0x6d: {  	_ =	swait.ge [sflag:s12], $0x7D0  }
0x6e: {  	[sflag:s12] =	ssyncset.done $0x0  }
0x6f: {  	s20 =	simm.s32 $0x0;
	[sflag:s12] =	ssyncadd.s32 $0xFFFFF830  }
0x70: {  	v0 =	vld [tilespmem:s20+$0x18700]  }
0x71: {  	v1 =	vld [tilespmem:s20+$0x18F00];
	_ =	sdelay $0x6  }
0x72: {  	v0 =	vld.idx.msk [tilespmem:v0+s3+$0x0], $0xffff  }
0x73: {  	s21 =	simm.s32 $0x10;
	v2 =	vld.idx.msk [tilespmem:v1+s3+$0x0], $0xffff  }
0x74: {  	s22 =	simm.s32 $0x80;
	v1 =	vld [tilespmem:s21+$0x18700]  }
.LBB2_11:
0x75: {  	p0 =	sne.s32 s22, $0x1F00;
	v3 =	vld [tilespmem:s21+$0x18F00];
	_ =	sdelay $0x3  }
0x76: {  	v0 =	vsub.f32 v2, v0  }
.Ltmp4:
0x77: {  	(pc) =	sbr.rel @p0 .LBB2_11-.Ltmp4, $4  }
0x78: {  	[tilespmem:s20+$0x19700] =	vst v0;
	s20 =	smov.u32 s21  }
0x79: {  	v0 =	vld.idx.msk [tilespmem:v1+s3+$0x0], $0xffff  }
0x7a: {  	s21 =	sshra.s32 s22, $0x2;
	v2 =	vld.idx.msk [tilespmem:v3+s3+$0x0], $0xffff  }
0x7b: {  	s22 =	sadd.s32 $0x40, s22;
	v1 =	vld [tilespmem:s21+$0x18700]  }
0x7c: {  	_ = 	snop  }
0x7d: {  	v3 =	vld [tilespmem:s21+$0x18F00];
	_ =	sdelay $0x3  }
0x7e: {  	v0 =	vsub.f32 v2, v0;
	_ =	sdelay $0x1  }
0x7f: {  	[tilespmem:s20+$0x19700] =	vst v0  }
0x80: {  	v0 =	vld.idx.msk [tilespmem:v1+s3+$0x0], $0xffff  }
0x81: {  	v63 =	vld.idx.msk [tilespmem:v3+s3+$0x0], $0xffff;
	_ =	sdelay $0x4  }
0x82: {  	s18 =	sadd.s32 $0x1, s18;
	v0 =	vsub.f32 v63, v0  }
0x83: {  	p0 =	sne.s32 s18, $0x19  }
.Ltmp5:
0x84: {  	s19 =	sadd.s32 s7, s19;
	[tilespmem:s21+$0x19700] =	vst v0;
	(pc) =	sbr.rel @p0 .LBB2_10-.Ltmp5, $4  }
0x85: {  	[hbm4b:s19+s3] =	stream.linear.scatter [tilespmem:s15], [sflag:$0x1], $0x7D0, $0x38;
	[tilespmem:$0x19F00] =	vst v63  }
0x86: {  	_ =	swait.ge [sflag:s12], $0x7D0  }
0x87: {  	[sflag:s12] =	ssyncset.done $0x0  }
0x88: {  	[sflag:s12] =	ssyncadd.s32 $0xFFFFF830  }
0x89: {  	s16 =	sadd.s32 $0x1, s16  }
0x8a: {  	p0 =	sne.s32 s16, s11  }
.Ltmp6:
0x8b: {  	_ = 	snop;
	(pc) =	sbr.rel @p0 .LBB2_1-.Ltmp6, $1  }
0x8c: {  	_ =	sdelay $0x3  }
0x8d: {  	_ =	sfence.sel $0x180000  }
0x8e: {  	[bflag:$0x0] =	sbarrier.arrive $0xFFFF  }
0x8f: {  	p0 =	sne.s32 s4, $0x0;
	_ =	strace $0x90000047  }
0x90: {  	s0 =	sadd.s32 @!p0 $0x100000, s0;
	[bflag:$0x2] =	sbarrier.arrive $0xFFFF  }
0x91: {  	[sflag:s0] =	ssyncadd.tile.s32 @!p0 $0x1;
	_ =	shalt  }
.Lfunc_end2:
_tile_overlayer_lowered:
.L_overlay_start_2:
0x92: {  	(tag) =	ssettag $0x2  }
0x93: {  	s0 =	rddreg [dreg:$0x0];
	s2 =	stileid.u32  }
0x94: {  	s1 =	rddreg [dreg:$0x1];
	p0 =	sne.s32 s2, $0x0  }
0x95: {  	s3 =	rddreg [dreg:$0x2];
	[bflag:$0x3] =	sbarrier.arrive $0xFFFF;
	s2 =	simm.s32 @!p0 $0x1C01  }
0x96: {  	[timem:s3], [sflag:s2] =	dma.local @!p0 [hbm:s0], s1  }
0x97: {  	s0 =	simm.s32 @!p0 $0x1  }
0x98: {  	_ =	swait.ge @!p0 [sflag:s0], s1  }
0x99: {  	s1 =	ssub.s32 @!p0 $0x0, s1;
	[sflag:s0] =	ssyncset.done @!p0 $0x0  }
0x9a: {  	[sflag:s0] =	ssyncadd.s32 @!p0 s1  }
0x9b: {  	[bflag:$0x3] =	sbarrier.arrive $0xFFFF  }
0x9c: {  	_ =	shalt  }

// kernel: sparse-core-data-format-call.cloned.1.call-start
scs
called_computation_lowered:
.L_overlay_start_0:
0x0: {  	s1 =	sld [smem:$0x3FD9]  }
0x1: {  	s2 =	sld [smem:$0x3FFE];
	_ =	sdelay $0x1  }
0x2: {  	s3 =	srdreg.scid  }
0x3: {  	s0 =	sand.u32 $0x1, s3  }
0x4: {  	s17 =	sshll.u32 s0, $0xA;
	s1 =	sadd.s32 s2, s1  }
0x5: {  	s1 =	sadd.s32 s1, s17  }
0x6: {  	[smem:$0x3FC3] =	sst s1  }
0x7: {  	_ = 	snop  }
0x8: {  	(tm) =	ssettm $0x1  }
0x9: {  	s18 =	sld [smem:$0x3FFB];
	_ =	sdelay $0x3  }
0xa: {  	_ =	strace s18  }
0xb: {  	s1 =	sld [smem:$0x3FFC];
	_ =	sdelay $0x3  }
0xc: {  	_ =	strace s1  }
0xd: {  	s1 =	sld [smem:$0x3FFD];
	_ =	sdelay $0x3  }
0xe: {  	_ =	strace s1  }
0xf: {  	_ =	strace $0x8FFFFFFF  }
0x10: {  	s19 =	sld [smem:$0x3FDB];
	_ =	sdelay $0x1  }
0x11: {  	s20 =	simm.s32 $_scs_section_size  }
0x12: {  	s4 =	simm.s32 $_size__tile_overlayer_lowered;
	s5 =	simm.s32 $_tile_overlayer_lowered  }
0x13: {  	s23 =	simm.s32 $0x1BFF;
	s22 =	sshll.u32 s5, $0x1;
	s1 =	sadd.s32 s20, s19  }
0x14: {  	s6 =	simm.s32 $0x0;
	s21 =	sshll.u32 s4, $0x1;
	s4 =	sadd.s32 s22, s1  }
0x15: {  	[timem:s6], [sflag:s23] =	dma.local [hbm:s4], s21  }
0x16: {  	_ =	swait.ge [sflag:s23], s21  }
0x17: {  	s2 =	ssub.s32 $0x0, s21;
	[sflag:s23] =	ssyncset.done $0x0  }
0x18: {  	[sflag:s23] =	ssyncadd.s32 s2;
	_ =	sdelay $0x1  }
0x19: {  	s24 =	simm.s32 $0x1B8B  }
0x1a: {  	_ =	swait.ge [sflag:s24], $0x1  }
0x1b: {  	[sflag:s24] =	ssyncset.done $0x0  }
0x1c: {  	s26 =	simm.s32 $0x1B8E;
	s25 =	sld [smem:$0x3FFE];
	[sflag:s24] =	ssyncadd.s32 $0xFFFFFFFF  }
0x1d: {  	s27 =	simm.s32 $execute0_lowered;
	[smem:$0x3FD2] =	sst s26  }
0x1e: {  	s4 =	sshll.u32 s27, $0x1;
	_ =	strace $0x80000049;
	[dreg:$0x1] =	wrdreg $0xFFFFFFFF  }
0x1f: {  	s28 =	simm.s32 $_size_execute0_lowered;
	s1 =	sadd.s32 s1, s4;
	[dreg:$0x0] =	wrdreg $0x0  }
0x20: {  	s4 =	sshll.u32 s28, $0x1;
	[dreg:$0x2] =	wrdreg s1  }
0x21: {  	[dreg:$0x3] =	wrdreg s4  }
0x22: {  	[dreg:$0x4] =	wrdreg $0xC0  }
0x23: {  	_ =	task [dreg:s6], $0x5FFFF  }
0x24: {  	[dreg:$0x1] =	wrdreg $0xFFFFFFFF  }
0x25: {  	[dreg:$0x0] =	wrdreg $0x60  }
0x26: {  	[dreg:$0x2] =	wrdreg s25  }
0x27: {  	[dreg:$0x3] =	wrdreg $0x9  }
0x28: {  	_ =	task.clear_ibuf [dreg:s6], $0x4FFFF;
	_ =	strace $0x90000049  }
0x29: {  	s29 =	simm.s32 $0x9;
	_ =	strace $0x8000004B  }
0x2a: {  	_ =	swait.ge [sflag:s29], $0x1  }
0x2b: {  	[sflag:s29] =	ssyncadd.s32 $0xFFFFFFFF  }
0x2c: {  	_ =	strace $0x9000004B  }
0x2d: {  	_ =	sfence  }
0x2e: {  	s30 =	sld [smem:$0x0];
	_ =	sdelay $0x2  }
0x2f: {  	s31 =	sshll.u32 s3, $0xD;
	s3 =	sshrl.u32 s3, $0x2  }
0x30: {  	s2 =	sand.u32 $0x4000, s31;
	s1 =	sadd.s32 s3, s30  }
0x31: {  	s0 =	sor.u32 s2, s0;
	s1 =	sshll.u32 s1, $0x11  }
0x32: {  	s0 =	sor.u32 s1, s0  }
0x33: {  	s0 =	sadd.s32 $0x8F2B, s0  }
0x34: {  	[sflag:s0] =	ssyncadd.remote.s32 $0x1  }
0x35: {  	_ =	sfence.sel $0xFFFF  }
0x36: {  	[dreg:$0x0] =	wrdreg $0xFFFFFFFF;
	(pc) =	sbr.abs _section_cstart, $3  }
0x37: {  	[dreg:$0x1] =	wrdreg $0xFFFFFFFF  }
0x38: {  	_ =	task.clear_ibuf [dreg:s6], $0x2FFFF;
	_ =	strace $0x9FFFFFFF  }
0x39: {  	(tm) =	ssettm $0x7FFFFFFF  }
tec
execute0_lowered:
.L_overlay_start_1:
0x0: {  	(tag) =	ssettag $0x1  }
0x1: {  	s0 =	rddreg [dreg:$0x0]  }
0x2: {  	s3 =	stileid.u32;
	s1 =	srdreg.scid  }
0x3: {  	s6 =	simm.s32 $0x30;
	_ =	strace $0x8000004A;
	s31 =	simm.s32 $0x2  }
0x4: {  	s18 =	simm.s32 $0x0;
	s13 =	simm.s32 $0x0;
	s19 =	simm.s32 $0x0  }
0x5: {  	s20 =	simm.s32 $0x0;
	s21 =	simm.s32 $0x0;
	s15 =	simm.s32 $0x0  }
0x6: {  	s2 =	sand.u32 $0x1, s3;
	s3 =	sshll.u32 s3, $0x2;
	s1 =	sshll.u32 s1, $0x8  }
0x7: {  	s3 =	sand.u32 $0x38, s3;
	s5 =	ssub.s32 $0x2, s2;
	s4 =	sand.u32 $0x100, s1  }
0x8: {  	s29 =	sshrl.u32 s5, $0x1;
	s5 =	sand.u32 $0x1, s5;
	p0 =	seq.s32 s3, $0x38  }
0x9: {  	s7 =	ssub.s32 $0x200, s4;
	s1 =	sadd.s32 s5, s29;
	s6 =	simm.s32 @!p0 $0x31  }
0xa: {  	s17 =	simm.s32 $0x0;
	s30 =	sshrl.u32 s7, $0x8;
	s1 =	smul.u32 s6, s1  }
.Ltmp0:
0xb: {  	s7 =	sshrl.u32 s7, $0x9;
	s5 =	sand.u32 $0x1, s30;
	(pc) =	sbr.rel .LBB1_1-.Ltmp0, $4  }
0xc: {  	s27 =	simm.s32 $0x0;
	s8 =	sadd.s32 $0x310400, s0;
	s7 =	sadd.s32 s7, s5  }
0xd: {  	s16 =	smov.u32 s2;
	s6 =	simm.s32 $0x1;
	s7 =	smul.u32 s7, s1  }
0xe: {  	s9 =	sshll.u32 s4, $0x3;
	s14 =	smov.u32 s3;
	[sflag:s6] =	ssyncpa.u1 $0x0  }
0xf: {  	s5 =	sadd.s32 $0x2400, s0;
	[sflag:s31] =	ssyncpa.u1 $0x0;
	s10 =	sadd.s32 $0x1, s7  }
.LBB1_7:
0x10: {  	s0 =	sadd.s32 $0x40, s14  }
0x11: {  	s1 =	sadd.s32 $0x8, s15;
	s11 =	smov.u32 s15;
	p1 =	sgt.s32 s0, $0xC37  }
0x12: {  	s11 =	smov.u32 @p1 s1  }
0x13: {  	s12 =	sadd.s32 $0x2, s16;
	s22 =	smov.u32 s16;
	p2 =	sgt.s32 s11, $0x7  }
0x14: {  	s22 =	smov.u32 @p2 s12  }
0x15: {  	s0 =	smov.u32 @p1 s3;
	p1 =	sgt.s32 s22, $0x1  }
0x16: {  	p0 =	slt.u32 s17, $0x2;
	s22 =	smov.u32 @p1 s2;
	p1 =	sne.s32 s17, s10  }
.Ltmp1:
0x17: {  	s19 =	smov.u32 s14;
	s1 =	simm.s32 @!p0 $0x2;
	(pc) =	sbr.rel @!p1 .LBB1_8-.Ltmp1, $4  }
0x18: {  	s20 =	smov.u32 s15;
	s21 =	smov.u32 s16;
	_ =	swait.ge @!p0 [sflag:s1], $0x4000  }
0x19: {  	s13 =	sadd.s32 $0x4000, s13;
	s18 =	smov.u32 s4;
	[sflag:s1] =	ssyncset.done @!p0 $0x0  }
0x1a: {  	s14 =	smov.u32 s0;
	s11 =	simm.s32 @p2 $0x0;
	[sflag:s1] =	ssyncadd.s32 @!p0 $0xFFFFC000  }
0x1b: {  	s15 =	smov.u32 s11;
	s17 =	sadd.s32 $0x1, s17;
	s16 =	smov.u32 s22  }
.LBB1_1:
0x1c: {  	p0 =	sge.u32 s17, s7  }
0x1d: {  	s0 =	sshll.u32 @!p0 s14, $0x9  }
0x1e: {  	s1 =	sshll.u32 @!p0 s14, $0x7;
	s0 =	sand.u32 @!p0 $0xFFFFF000, s0  }
0x1f: {  	s1 =	sand.u32 @!p0 $0x200, s1;
	s0 =	sor.u32 @!p0 s9, s0  }
0x20: {  	s0 =	sor.u32 @!p0 s1, s0  }
0x21: {  	s0 =	sshrl.u32 @!p0 s0, $0x9  }
0x22: {  	s1 =	smulhi.u32 @!p0 $0x29E71F, s0;
	_ =	sdelay $0x1  }
0x23: {  	s11 =	smul.u32 @!p0 $0x187000, s16;
	s1 =	sshrl.u32 @!p0 s1, $0x1  }
0x24: {  	s1 =	smul.u32 @!p0 $0xC38, s1  }
0x25: {  	s31 =	sadd.s32 $0xFFFFFFFF, s17;
	s12 =	sxor.u32 @!p0 $0xFFFFFFFF, s17;
	s22 =	smul.u32 @!p0 $0x30E00, s15  }
0x26: {  	s11 =	sadd.s32 @!p0 s5, s11;
	s0 =	ssub.s32 @!p0 s0, s1;
	s1 =	sshll.u32 @!p0 s14, $0x4  }
0x27: {  	s12 =	sshll.u32 @!p0 s12, $0xE;
	s11 =	sadd.s32 @!p0 s22, s11;
	s1 =	sand.u32 @!p0 $0x30, s1  }
0x28: {  	s12 =	sand.u32 @!p0 $0x4000, s12;
	s0 =	sshll.u32 @!p0 s0, $0x6;
	s1 =	sadd.s32 @!p0 s1, s11  }
0x29: {  	s11 =	simm.s32 @!p0 $0x187000;
	s0 =	sadd.s32 @!p0 s0, s1;
	s1 =	simm.s32 @!p0 $0x800  }
0x2a: {  	[tilespmem:s12], [sflag:$0x1] =	stream.strided.gather @!p0 [hbm4b:s0+s1], $0x4000, s11, s1, $0x38;
	[tilespmem:$0x10000] =	vst v63  }
0x2b: {  	p0 =	sge.u32 s31, s7  }
.Ltmp2:
0x2c: {  	_ = 	snop;
	(pc) =	sbr.rel @p0 .LBB1_7-.Ltmp2, $1  }
0x2d: {  	_ =	sdelay $0x3  }
0x2e: {  	s0 =	sshll.u32 s13, $0x2;
	_ =	swait.ge [sflag:s6], $0x4000;
	s11 =	sshll.u32 s17, $0xE  }
0x2f: {  	p0 =	por $0x0, $0x0;
	s28 =	simm.s32 $0x0;
	s29 =	simm.s32 $0x0  }
0x30: {  	s0 =	sand.u32 $0x10000, s0;
	[sflag:s6] =	ssyncset.done $0x0;
	s25 =	sand.u32 $0x4000, s11  }
0x31: {  	s1 =	sshrl.u32 s0, $0x2;
	[sflag:s6] =	ssyncadd.s32 $0xFFFFC000;
	s22 =	sor.u32 $0x8000, s25  }
0x32: {  	s23 =	sor.u32 $0x40, s1;
	s0 =	sor.u32 $0x8410, s1;
	s26 =	sadd.s32 $0x8400, s1  }
.LBB1_3:
0x33: {  	v1 =	vld [tilespmem:s23+$0xFFFFFFD0]  }
0x34: {  	v2 =	vld [tilespmem:s23+$0x430]  }
0x35: {  	s1 =	sshll.u32 s29, $0xB;
	v4 =	vld [tilespmem:s23+$0xFFFFFFE0]  }
0x36: {  	v7 =	vld [tilespmem:s23+$0xFFFFFFF0];
	v0 =	vmov s1  }
0x37: {  	v8 =	vld [tilespmem:s23+$0x0]  }
0x38: {  	s12 =	sand.u32 $0x300, s27;
	v9 =	vld [tilespmem:s23+$0x10]  }
0x39: {  	s11 =	sand.u32 $0x80, s27;
	v10 =	vld [tilespmem:s23+$0x20];
	s1 =	sadd.s32 s12, s25  }
0x3a: {  	v11 =	vld [tilespmem:s23+$0x30];
	s1 =	sadd.s32 s11, s1;
	s11 =	simm.s32 $0x1;
	[tilespmem:s0+$0x60] =	vst v2  }
0x3b: {  	s24 =	sshll.u32 s28, $0x2;
	s11 =	simm.s32 @!p0 $0x0;
	[tilespmem:s0+$0xFFFFFC00] =	vst v1;
	v3 =	vld.idx.msk [tilespmem:v0+s1+$0x400 ss:$0x1], $0xffff  }
0x3c: {  	v6 =	vld [tilespmem:s23+$0x3D0];
	s11 =	sshll.u32 s11, $0x9;
	[tilespmem:s0+$0xFFFFFC10] =	vst v4;
	s1 =	sand.u32 $0xFFFFFC00, s24  }
0x3d: {  	v5 =	vld [tilespmem:s23+$0x3E0];
	[tilespmem:s0+$0xFFFFFC20] =	vst v7;
	s1 =	sor.u32 s11, s1  }
0x3e: {  	[tilespmem:s0+$0xFFFFFC30] =	vst v8;
	v4 =	vld [tilespmem:s23+$0x400];
	s1 =	sshrl.u32 s1, $0x2  }
0x3f: {  	[tilespmem:s0+$0xFFFFFC40] =	vst v9;
	v1 =	vld [tilespmem:s23+$0x410];
	s30 =	sadd.s32 s1, s26  }
0x40: {  	[tilespmem:s30+$0x0] =	vst v3;
	v3 =	vld [tilespmem:s23+$0x3F0]  }
0x41: {  	s31 =	sadd.s32 $0x80, s23;
	[tilespmem:s0+$0xFFFFFC50] =	vst v10;
	v2 =	vld [tilespmem:s23+$0x420];
	s11 =	simm.s32 $0x80  }
0x42: {  	v7 =	vld [tilespmem:s23+$0xFFFFFFC0];
	[tilespmem:s0+$0xFFFFFC60] =	vst v11;
	s24 =	smov.u32 s0;
	s12 =	sand.u32 $0x300, s11;
	s1 =	simm.s32 $0x100  }
.LBB1_4:
0x43: {  	p1 =	sne.s32 s1, $0x380;
	v8 =	vld [tilespmem:s31+$0xFFFFFFD0];
	s11 =	sand.u32 $0x80, s11;
	s12 =	sadd.s32 s12, s25;
	[tilespmem:s24+$0x0] =	vst v6  }
0x44: {  	s12 =	sadd.s32 s11, s12;
	v6 =	vld [tilespmem:s31+$0x430];
	[tilespmem:s24+$0x10] =	vst v5;
	s11 =	smov.u32 s1  }
0x45: {  	v5 =	vld.idx.msk [tilespmem:v0+s12+$0x400 ss:$0x1], $0xffff;
	[tilespmem:s24+$0x20] =	vst v3  }
0x46: {  	v3 =	vld [tilespmem:s31+$0xFFFFFFE0];
	[tilespmem:s24+$0x30] =	vst v4  }
0x47: {  	v4 =	vld [tilespmem:s31+$0xFFFFFFF0];
	[tilespmem:s24+$0xFFFFFBF0] =	vst v7  }
0x48: {  	v7 =	vld [tilespmem:s31+$0x0];
	[tilespmem:s24+$0x40] =	vst v1  }
0x49: {  	v1 =	vld [tilespmem:s31+$0x10];
	[tilespmem:s24+$0x50] =	vst v2;
	s24 =	sadd.s32 $0x800, s24  }
0x4a: {  	s30 =	sadd.s32 $0x800, s30;
	v2 =	vld [tilespmem:s31+$0x20];
	[tilespmem:s24+$0x60] =	vst v6  }
0x4b: {  	v9 =	vld [tilespmem:s31+$0x30];
	[tilespmem:s30+$0x0] =	vst v5  }
0x4c: {  	[tilespmem:s24+$0xFFFFFC00] =	vst v8;
	v6 =	vld [tilespmem:s31+$0x3D0]  }
0x4d: {  	[tilespmem:s24+$0xFFFFFC10] =	vst v3;
	v5 =	vld [tilespmem:s31+$0x3E0]  }
.Ltmp3:
0x4e: {  	[tilespmem:s24+$0xFFFFFC20] =	vst v4;
	v3 =	vld [tilespmem:s31+$0x3F0];
	(pc) =	sbr.rel @p1 .LBB1_4-.Ltmp3, $4  }
0x4f: {  	[tilespmem:s24+$0xFFFFFC30] =	vst v7;
	v4 =	vld [tilespmem:s31+$0x400]  }
0x50: {  	[tilespmem:s24+$0xFFFFFC40] =	vst v1;
	v1 =	vld [tilespmem:s31+$0x410]  }
0x51: {  	[tilespmem:s24+$0xFFFFFC50] =	vst v2;
	v2 =	vld [tilespmem:s31+$0x420]  }
0x52: {  	s1 =	sadd.s32 $0x80, s1;
	s12 =	sand.u32 $0x300, s11;
	v7 =	vld [tilespmem:s31+$0xFFFFFFC0];
	[tilespmem:s24+$0xFFFFFC60] =	vst v9;
	s31 =	sadd.s32 $0x80, s31  }
0x53: {  	[tilespmem:s24+$0x0] =	vst v6  }
0x54: {  	[tilespmem:s24+$0x10] =	vst v5  }
0x55: {  	v49 =	vld [tilespmem:s31+$0x430];
	[tilespmem:s24+$0x20] =	vst v3  }
0x56: {  	v50 =	vld [tilespmem:s31+$0xFFFFFFD0];
	[tilespmem:s24+$0x30] =	vst v4  }
0x57: {  	v51 =	vld [tilespmem:s31+$0xFFFFFFE0];
	[tilespmem:s24+$0x40] =	vst v1  }
0x58: {  	v52 =	vld [tilespmem:s31+$0xFFFFFFF0];
	[tilespmem:s24+$0x50] =	vst v2  }
0x59: {  	v53 =	vld [tilespmem:s31+$0x0];
	[tilespmem:s24+$0xFFFFFBF0] =	vst v7;
	s24 =	sadd.s32 $0x800, s24  }
0x5a: {  	v54 =	vld [tilespmem:s31+$0x10];
	[tilespmem:s24+$0x60] =	vst v49  }
0x5b: {  	v55 =	vld [tilespmem:s31+$0x20];
	[tilespmem:s24+$0xFFFFFC00] =	vst v50  }
0x5c: {  	v56 =	vld [tilespmem:s31+$0x30];
	[tilespmem:s24+$0xFFFFFC10] =	vst v51  }
0x5d: {  	v57 =	vld [tilespmem:s31+$0x3D0];
	[tilespmem:s24+$0xFFFFFC20] =	vst v52  }
0x5e: {  	v58 =	vld [tilespmem:s31+$0x3E0];
	[tilespmem:s24+$0xFFFFFC30] =	vst v53  }
0x5f: {  	v59 =	vld [tilespmem:s31+$0x3F0];
	[tilespmem:s24+$0xFFFFFC40] =	vst v54  }
0x60: {  	v60 =	vld [tilespmem:s31+$0x400];
	[tilespmem:s24+$0xFFFFFC50] =	vst v55  }
0x61: {  	v61 =	vld [tilespmem:s31+$0xFFFFFFC0];
	[tilespmem:s24+$0xFFFFFC60] =	vst v56  }
0x62: {  	s1 =	sand.u32 $0x80, s11;
	s12 =	sadd.s32 s12, s25;
	v62 =	vld [tilespmem:s31+$0x410];
	[tilespmem:s24+$0x0] =	vst v57  }
0x63: {  	v63 =	vld [tilespmem:s31+$0x420];
	s29 =	sadd.s32 $0x1, s29;
	s1 =	sadd.s32 s1, s12;
	[tilespmem:s24+$0x10] =	vst v58  }
0x64: {  	p1 =	sne.s32 s29, $0x8;
	v0 =	vld.idx.msk [tilespmem:v0+s1+$0x400 ss:$0x1], $0xffff;
	[tilespmem:s24+$0x20] =	vst v59  }
.Ltmp4:
0x65: {  	[tilespmem:s24+$0x30] =	vst v60;
	(pc) =	sbr.rel @p1 .LBB1_3-.Ltmp4, $4  }
0x66: {  	[tilespmem:s24+$0xFFFFFBF0] =	vst v61  }
0x67: {  	[tilespmem:s24+$0x40] =	vst v62  }
0x68: {  	s30 =	sadd.s32 $0x800, s30;
	s23 =	sadd.s32 $0x800, s23;
	[tilespmem:s24+$0x50] =	vst v63  }
0x69: {  	s28 =	sadd.s32 $0x80, s28;
	p0 =	por !p0, !p0;
	s0 =	sadd.s32 $0x80, s0;
	[tilespmem:s30+$0x0] =	vst v0  }
0x6a: {  	s0 =	smul.u32 $0x187000, s21  }
.Ltmp5:
0x6b: {  	s1 =	sshll.u32 s20, $0x4;
	(pc) =	sbr.rel .LBB1_7-.Ltmp5, $4  }
0x6c: {  	s11 =	sshll.u32 s19, $0x9;
	s1 =	sand.u32 $0x70, s1;
	s0 =	sadd.s32 s8, s0  }
0x6d: {  	s1 =	sor.u32 s18, s1;
	s0 =	sadd.s32 s11, s0  }
0x6e: {  	s30 =	simm.s32 $0x800;
	s31 =	simm.s32 $0x1000;
	s0 =	sadd.s32 s1, s0  }
0x6f: {  	[hbm4b:s0+s30] =	stream.strided.scatter [tilespmem:s22], [sflag:$0x2], $0x4000, s31, s30, $0x38;
	[tilespmem:$0x10000] =	vst v63  }
.LBB1_8:
0x70: {  	_ =	sfence.sel $0x180000  }
0x71: {  	s0 =	simm.s32 $0x1;
	[bflag:$0x0] =	sbarrier.arrive $0xFFFF  }
0x72: {  	s30 =	simm.s32 $0x2;
	[sflag:s0] =	ssyncpa.u1 $0x1  }
0x73: {  	[sflag:s30] =	ssyncpa.u1 $0x1  }
0x74: {  	_ =	strace $0x9000004A  }
0x75: {  	s31 =	stileid.u32;
	[bflag:$0x2] =	sbarrier.arrive $0xFFFF  }
0x76: {  	p0 =	sne.s32 s31, $0x0;
	s0 =	rddreg [dreg:$0x1]  }
0x77: {  	s0 =	sadd.s32 @!p0 $0x100000, s0  }
0x78: {  	[sflag:s0] =	ssyncadd.tile.s32 @!p0 $0x1;
	_ =	shalt  }
.Lfunc_end1:
_tile_overlayer_lowered:
.L_overlay_start_2:
0x79: {  	(tag) =	ssettag $0x2  }
0x7a: {  	s0 =	rddreg [dreg:$0x0];
	s2 =	stileid.u32  }
0x7b: {  	s1 =	rddreg [dreg:$0x1];
	p0 =	sne.s32 s2, $0x0  }
0x7c: {  	s3 =	rddreg [dreg:$0x2];
	[bflag:$0x3] =	sbarrier.arrive $0xFFFF;
	s2 =	simm.s32 @!p0 $0x1C01  }
0x7d: {  	[timem:s3], [sflag:s2] =	dma.local @!p0 [hbm:s0], s1  }
0x7e: {  	s0 =	simm.s32 @!p0 $0x1  }
0x7f: {  	_ =	swait.ge @!p0 [sflag:s0], s1  }
0x80: {  	s1 =	ssub.s32 @!p0 $0x0, s1;
	[sflag:s0] =	ssyncset.done @!p0 $0x0  }
0x81: {  	[sflag:s0] =	ssyncadd.s32 @!p0 s1  }
0x82: {  	[bflag:$0x3] =	sbarrier.arrive $0xFFFF  }
0x83: {  	_ =	shalt  }

</sc_bundles>
